<compile_context>
chip_gen: v7x
topology: tpu7x:2x2x1
jax: 0.10.2.dev20260603
libtpu: 0.0.44.dev20260713+nightly
codegen_flags: <defaults>
</compile_context>

<pallas_src>
import functools

import jax
import jax.numpy as jnp
from jax import lax
from jax.experimental import pallas as pl
from jax.experimental.pallas import tpu as pltpu
from jax.experimental.pallas import tpu_sc as plsc

D = 768
HALF = D // 2
B = 1024
S = 50
SG = S + 1
BLK = 32
NW = 32
UNITS = SG
NBUF = 3
TC_BLK = 256


def _tc_body(t_ref, c_ref, w_ref, temb_ref, cond_ref):
    t = t_ref[:]
    k = lax.broadcasted_iota(jnp.int32, (1, HALF), 1).astype(jnp.float32)
    inv_freq = jnp.exp(k * (-2.0 * jnp.log(100.0) / D))
    arg = t * inv_freq
    temb_ref[:, :HALF] = jnp.sin(arg)
    temb_ref[:, HALF:] = jnp.cos(arg)
    cond_ref[:] = lax.dot_general(
        c_ref[:], w_ref[:], (((1,), (1,)), ((), ())),
        preferred_element_type=jnp.float32)


def _tc_call(t2, cond_emb, w):
    return pl.pallas_call(
        _tc_body,
        grid=(B // TC_BLK,),
        in_specs=[
            pl.BlockSpec((TC_BLK, 1), lambda i: (i, 0)),
            pl.BlockSpec((TC_BLK, D), lambda i: (i, 0)),
            pl.BlockSpec((D, D), lambda i: (0, 0)),
        ],
        out_specs=[
            pl.BlockSpec((TC_BLK, D), lambda i: (i, 0)),
            pl.BlockSpec((TC_BLK, D), lambda i: (i, 0)),
        ],
        out_shape=[
            jax.ShapeDtypeStruct((B, D), jnp.float32),
            jax.ShapeDtypeStruct((B, D), jnp.float32),
        ],
    )(t2, cond_emb, w)


_mesh = plsc.VectorSubcoreMesh(core_axis_name="c", subcore_axis_name="s")


@functools.partial(
    pl.kernel,
    mesh=_mesh,
    out_type=jax.ShapeDtypeStruct((SG, B, D), jnp.float32),
    scratch_types=[
        pltpu.VMEM((S * BLK,), jnp.int32),
        pltpu.VMEM((BLK, D), jnp.float32),
        pltpu.VMEM((BLK, D), jnp.float32),
        pltpu.VMEM((BLK, D), jnp.float32),
        pltpu.SemaphoreType.DMA,
        pltpu.SemaphoreType.DMA,
        pltpu.SemaphoreType.DMA,
        pltpu.SemaphoreType.DMA,
        pltpu.SemaphoreType.DMA,
        pltpu.SemaphoreType.DMA,
    ],
)
def _sc_gather(xt_hbm, temb_hbm, table_hbm, out_hbm,
               idxs_v, b0, b1, b2, g0, g1, g2, w0, w1, w2):
    wid = lax.axis_index("s") * 2 + lax.axis_index("c")
    bufs = (b0, b1, b2)
    gsems = (g0, g1, g2)
    wsems = (w0, w1, w2)

    pltpu.sync_copy(xt_hbm.at[pl.ds(wid * S * BLK, S * BLK)], idxs_v)

    def issue_load(m, p):
        @pl.when(m == 0)
        def _():
            pltpu.async_copy(temb_hbm.at[pl.ds(wid * BLK, BLK)],
                             bufs[p], gsems[p])

        @pl.when(m > 0)
        def _():
            pltpu.async_copy(
                table_hbm.at[idxs_v.at[pl.ds((m - 1) * BLK, BLK)]],
                bufs[p], gsems[p])

    def drain_and_write(m, p):
        pltpu.make_async_copy(temb_hbm.at[pl.ds(0, BLK)],
                              bufs[p], gsems[p]).wait()
        u = wid * S + (m - 1)
        plane = jnp.where(m == 0, 0, u // 32 + 1)
        row = jnp.where(m == 0, wid, u % 32)
        pltpu.async_copy(bufs[p], out_hbm.at[plane, pl.ds(row * BLK, BLK)],
                         wsems[p])

    def wait_write(p):
        pltpu.make_async_copy(bufs[p], out_hbm.at[0, pl.ds(0, BLK)],
                              wsems[p]).wait()

    for p in range(NBUF):
        issue_load(p, p)

    @pl.loop(0, UNITS - NBUF, step=NBUF)
    def _(g):
        for p in range(NBUF):
            drain_and_write(g + p, p)
        for p in range(NBUF):
            wait_write(p)
            issue_load(g + NBUF + p, p)

    for m in (UNITS - 3, UNITS - 2, UNITS - 1):
        drain_and_write(m, m % NBUF)
    for m in (UNITS - 3, UNITS - 2, UNITS - 1):
        wait_write(m % NBUF)


def kernel(x, t, condition_emb, emb_table, cond_W):
    xt1 = x.astype(jnp.int32).T.reshape(-1)
    temb, cond = _tc_call(t.reshape(B, 1), condition_emb, cond_W)
    dit = _sc_gather(xt1, temb, emb_table)
    return dit.transpose(1, 0, 2), cond

# --- scband reference (transcript-rebuilt; emitter-appended) ---
"""Pipeline reference for scband-dit-embedder-429496729684 (READ-ONLY COPY).

The authoritative reference and input builder live on the scoring server;
editing this copy changes nothing except your own understanding.
"""

import jax, jax.numpy as jnp
import numpy as np

D_MODEL = 768


def setup_inputs(seed: int = 0) -> dict:
    key = jax.random.key(seed)
    k1, k2, k3, k4, k5 = jax.random.split(key, 5)
    x = jax.random.randint(k1, (1024, 50), 0, 100000)
    t = jax.random.uniform(k2, (1024,), dtype=jnp.float32)
    condition_emb = jax.random.normal(k3, (1024, 768), dtype=jnp.float32)
    bound = 1.0 / np.sqrt(768.0)
    # nn.Embedding weight with kaiming_uniform(a=sqrt(5)) -> U(-1/sqrt(fan_in), 1/sqrt(fan_in))
    emb_table = jax.random.uniform(k4, (100000, 768), minval=-bound, maxval=bound, dtype=jnp.float32)
    # nn.Linear(condition_dim, d_model, bias=False) weight: [d_model, condition_dim]
    cond_W = jax.random.uniform(k5, (768, 768), minval=-bound, maxval=bound, dtype=jnp.float32)
    return {"x": x, "t": t, "condition_emb": condition_emb, "emb_table": emb_table, "cond_W": cond_W}


def _time_embedding(t, d_model, maxval=100.0):
    t = t[:, None].astype(jnp.float32)
    inv_freq = 1.0 / (maxval ** (jnp.arange(0, d_model, 2, dtype=jnp.float32) / d_model))
    arg = jnp.tile(t, (1, d_model // 2)) * inv_freq
    pos_enc_a = jnp.sin(arg)
    pos_enc_b = jnp.cos(arg)
    return jnp.concatenate([pos_enc_a, pos_enc_b], axis=-1)


def reference(x, t, condition_emb, emb_table, cond_W):
    # x_emb = self.x_emb(x)
    x_emb = jnp.take(emb_table, x, axis=0)
    # condition_emb = self.condition_emb(condition_emb)  (Linear, no bias)
    cond = condition_emb @ cond_W.T
    # t_emb = get_time_embedding(t, d_model).unsqueeze(1)
    t_emb = _time_embedding(t, D_MODEL)[:, None, :]
    # dit_input_emb = cat([t_emb, x_emb], dim=1)
    dit_input_emb = jnp.concatenate([t_emb, x_emb], axis=1)
    return (dit_input_emb, cond)

if __name__ == "__main__":
    import jax
    _d = setup_inputs()
    print(jax.jit(kernel)(*tuple(_d.values())))

</pallas_src>

<mosaic_0001>
#map = affine_map<(d0, d1) -> (0)>
#map1 = affine_map<(d0, d1) -> (0, 0)>
#map2 = affine_map<(d0, d1) -> (0, 0, 0)>
module attributes {stable_mosaic.version = 14 : i64} {
  func.func @_sc_gather(%arg0: i32, %arg1: i32, %arg2: memref<51200xi32, #tpu.memory_space<hbm>>, %arg3: memref<1024x768xf32, #tpu.memory_space<hbm>>, %arg4: memref<100000x768xf32, #tpu.memory_space<hbm>>, %arg5: memref<51x1024x768xf32, #tpu.memory_space<hbm>>, %arg6: memref<1600xi32, #tpu.memory_space<vmem>>, %arg7: memref<32x768xf32, #tpu.memory_space<vmem>>, %arg8: memref<32x768xf32, #tpu.memory_space<vmem>>, %arg9: memref<32x768xf32, #tpu.memory_space<vmem>>, %arg10: memref<!tpu.dma_semaphore, #tpu.memory_space<semaphore_mem>>, %arg11: memref<!tpu.dma_semaphore, #tpu.memory_space<semaphore_mem>>, %arg12: memref<!tpu.dma_semaphore, #tpu.memory_space<semaphore_mem>>, %arg13: memref<!tpu.dma_semaphore, #tpu.memory_space<semaphore_mem>>, %arg14: memref<!tpu.dma_semaphore, #tpu.memory_space<semaphore_mem>>, %arg15: memref<!tpu.dma_semaphore, #tpu.memory_space<semaphore_mem>>) attributes {dimension_semantics = [#tpu.dimension_semantics<core_parallel>, #tpu.dimension_semantics<subcore_parallel>], iteration_bounds = array<i64: 2, 16>, scalar_prefetch = 0 : i64, scratch_operands = 10 : i64, tpu.core_type = #tpu.core_type<sc_vector_subcore>, window_params = [{transform_indices = #map}, {transform_indices = #map1}, {transform_indices = #map1}, {transform_indices = #map2}]} {
    %mul3A = arith.constant 2 : i32
    %mul3A_0 = arith.muli %arg1, %mul3A : i32
    %add3A = arith.addi %mul3A_0, %arg0 : i32
    %mul3A_1 = arith.constant 50 : i32
    %mul3A_2 = arith.muli %add3A, %mul3A_1 : i32
    %mul3A_3 = arith.constant 32 : i32
    %mul3A_4 = arith.muli %mul3A_2, %mul3A_3 : i32
    "tpu.region"() ({
      %run_scoped3A = tpu.sem_alloc : memref<!tpu.dma_semaphore, #tpu.memory_space<semaphore_mem>>
      %dma_start3A_235 = tpu.memref_slice %arg2[%mul3A_4] : memref<51200xi32, #tpu.memory_space<hbm>> -> memref<1600xi32, #tpu.memory_space<hbm>>
      %dma_start3A_236 = tpu.memref_slice %arg2[%mul3A_4] : memref<51200xi32, #tpu.memory_space<hbm>> -> memref<1600xi32, #tpu.memory_space<hbm>>
      tpu.enqueue_dma source(%dma_start3A_236 : memref<1600xi32, #tpu.memory_space<hbm>>) target(%arg6 : memref<1600xi32, #tpu.memory_space<vmem>>) target_semaphore(%run_scoped3A : memref<!tpu.dma_semaphore, #tpu.memory_space<semaphore_mem>>)
      %dma_wait3A_237 = tpu.memref_slice %arg2[%mul3A_4] : memref<51200xi32, #tpu.memory_space<hbm>> -> memref<1600xi32, #tpu.memory_space<hbm>>
      %dma_wait3A_238 = tpu.memref_slice %arg2[%mul3A_4] : memref<51200xi32, #tpu.memory_space<hbm>> -> memref<1600xi32, #tpu.memory_space<hbm>>
      tpu.wait_dma2 semaphore(%run_scoped3A : memref<!tpu.dma_semaphore, #tpu.memory_space<semaphore_mem>>) src(%dma_wait3A_238 : memref<1600xi32, #tpu.memory_space<hbm>>) dst(%arg6 : memref<1600xi32, #tpu.memory_space<vmem>>)
      tpu.yield
    }) : () -> ()
    %mul3A_5 = arith.constant 32 : i32
    %mul3A_6 = arith.muli %add3A, %mul3A_5 : i32
    %dma_start3A = arith.constant 0 : i32
    %dma_start3A_7 = tpu.memref_slice %arg3[%mul3A_6, %dma_start3A] : memref<1024x768xf32, #tpu.memory_space<hbm>> -> memref<32x768xf32, #tpu.memory_space<hbm>>
    %dma_start3A_8 = arith.constant 0 : i32
    %dma_start3A_9 = tpu.memref_slice %arg3[%mul3A_6, %dma_start3A_8] : memref<1024x768xf32, #tpu.memory_space<hbm>> -> memref<32x768xf32, #tpu.memory_space<hbm>>
    tpu.enqueue_dma source(%dma_start3A_9 : memref<32x768xf32, #tpu.memory_space<hbm>>) target(%arg7 : memref<32x768xf32, #tpu.memory_space<vmem>>) target_semaphore(%arg10 : memref<!tpu.dma_semaphore, #tpu.memory_space<semaphore_mem>>)
    %dma_start3A_10 = arith.constant 0 : i32
    %dma_start3A_11 = tpu.memref_slice %arg6[%dma_start3A_10] : memref<1600xi32, #tpu.memory_space<vmem>> -> memref<32xi32, #tpu.memory_space<vmem>>
    %dma_start3A_12 = arith.constant 0 : i32
    %dma_start3A_13 = arith.constant 0 : i32
    %dma_start3A_14 = tpu.memref_slice %arg4[%dma_start3A_12, %dma_start3A_13] : memref<100000x768xf32, #tpu.memory_space<hbm>> -> memref<100000x768xf32, #tpu.memory_space<hbm>>
    tpu.enqueue_indirect_dma source(%dma_start3A_14 : memref<100000x768xf32, #tpu.memory_space<hbm>>) target(%arg8 : memref<32x768xf32, #tpu.memory_space<vmem>>) offsets(%dma_start3A_11 : memref<32xi32, #tpu.memory_space<vmem>>) semaphore(%arg11 : memref<!tpu.dma_semaphore, #tpu.memory_space<semaphore_mem>>)
    %dma_start3A_15 = arith.constant 32 : i32
    %dma_start3A_16 = tpu.memref_slice %arg6[%dma_start3A_15] : memref<1600xi32, #tpu.memory_space<vmem>> -> memref<32xi32, #tpu.memory_space<vmem>>
    %dma_start3A_17 = arith.constant 0 : i32
    %dma_start3A_18 = arith.constant 0 : i32
    %dma_start3A_19 = tpu.memref_slice %arg4[%dma_start3A_17, %dma_start3A_18] : memref<100000x768xf32, #tpu.memory_space<hbm>> -> memref<100000x768xf32, #tpu.memory_space<hbm>>
    tpu.enqueue_indirect_dma source(%dma_start3A_19 : memref<100000x768xf32, #tpu.memory_space<hbm>>) target(%arg9 : memref<32x768xf32, #tpu.memory_space<vmem>>) offsets(%dma_start3A_16 : memref<32xi32, #tpu.memory_space<vmem>>) semaphore(%arg12 : memref<!tpu.dma_semaphore, #tpu.memory_space<semaphore_mem>>)
    %scan3A = arith.constant 0 : i32
    %scan3A_20 = arith.constant 16 : i32
    %scan3A_21 = arith.addi %scan3A, %scan3A_20 : i32
    %scan3A_22 = arith.constant 1 : i32
    scf.for %scan3A_235 = %scan3A to %scan3A_21 step %scan3A_22  : i32 {
      %mul3A_236 = arith.constant 3 : i32
      %mul3A_237 = arith.muli %scan3A_235, %mul3A_236 : i32
      %add3A_238 = arith.constant 0 : i32
      %add3A_239 = arith.addi %add3A_238, %mul3A_237 : i32
      %add3A_240 = arith.constant 0 : i32
      %add3A_241 = arith.addi %add3A_239, %add3A_240 : i32
      %dma_wait3A_242 = arith.constant 0 : i32
      %dma_wait3A_243 = arith.constant 0 : i32
      %dma_wait3A_244 = tpu.memref_slice %arg3[%dma_wait3A_242, %dma_wait3A_243] : memref<1024x768xf32, #tpu.memory_space<hbm>> -> memref<32x768xf32, #tpu.memory_space<hbm>>
      %dma_wait3A_245 = arith.constant 0 : i32
      %dma_wait3A_246 = arith.constant 0 : i32
      %dma_wait3A_247 = tpu.memref_slice %arg3[%dma_wait3A_245, %dma_wait3A_246] : memref<1024x768xf32, #tpu.memory_space<hbm>> -> memref<32x768xf32, #tpu.memory_space<hbm>>
      tpu.wait_dma2 semaphore(%arg10 : memref<!tpu.dma_semaphore, #tpu.memory_space<semaphore_mem>>) src(%dma_wait3A_247 : memref<32x768xf32, #tpu.memory_space<hbm>>) dst(%arg7 : memref<32x768xf32, #tpu.memory_space<vmem>>)
      %mul3A_248 = arith.constant 50 : i32
      %mul3A_249 = arith.muli %add3A, %mul3A_248 : i32
      %sub3A_250 = arith.constant 1 : i32
      %sub3A_251 = arith.subi %add3A_241, %sub3A_250 : i32
      %add3A_252 = arith.addi %mul3A_249, %sub3A_251 : i32
      %eq3A_253 = arith.constant 0 : i32
      %eq3A_254 = arith.cmpi eq, %add3A_241, %eq3A_253 : i32
      %jit3A_255 = arith.constant 32 : i32
      %div3A_256 = arith.divsi %add3A_252, %jit3A_255 : i32
      %sign3A_257 = arith.constant 0 : i32
      %sign3A_258 = arith.cmpi sgt, %add3A_252, %sign3A_257 : i32
      %sign3A_259 = arith.extui %sign3A_258 : i1 to i32
      %sign3A_260 = arith.constant 0 : i32
      %sign3A_261 = arith.cmpi slt, %add3A_252, %sign3A_260 : i32
      %sign3A_262 = arith.extui %sign3A_261 : i1 to i32
      %sign3A_263 = arith.subi %sign3A_259, %sign3A_262 : i32
      %sign3A_264 = arith.constant 0 : i32
      %sign3A_265 = arith.cmpi sgt, %jit3A_255, %sign3A_264 : i32
      %sign3A_266 = arith.extui %sign3A_265 : i1 to i32
      %sign3A_267 = arith.constant 0 : i32
      %sign3A_268 = arith.cmpi slt, %jit3A_255, %sign3A_267 : i32
      %sign3A_269 = arith.extui %sign3A_268 : i1 to i32
      %sign3A_270 = arith.subi %sign3A_266, %sign3A_269 : i32
      %ne3A_271 = arith.cmpi ne, %sign3A_263, %sign3A_270 : i32
      %rem3A_272 = arith.remsi %add3A_252, %jit3A_255 : i32
      %ne3A_273 = arith.constant 0 : i32
      %ne3A_274 = arith.cmpi ne, %rem3A_272, %ne3A_273 : i32
      %and3A_275 = arith.andi %ne3A_271, %ne3A_274 : i1
      %sub3A_276 = arith.constant 1 : i32
      %sub3A_277 = arith.subi %div3A_256, %sub3A_276 : i32
      %select_n3A_278 = arith.select %and3A_275, %sub3A_277, %div3A_256 : i32
      %add3A_279 = arith.constant 1 : i32
      %add3A_280 = arith.addi %select_n3A_278, %add3A_279 : i32
      %jit3A_281 = arith.constant 0 : i32
      %select_n3A_282 = arith.select %eq3A_254, %jit3A_281, %add3A_280 : i32
      %eq3A_283 = arith.constant 0 : i32
      %eq3A_284 = arith.cmpi eq, %add3A_241, %eq3A_283 : i32
      %jit3A_285 = arith.constant 32 : i32
      %eq3A_286 = arith.constant 0 : i32
      %eq3A_287 = arith.cmpi eq, %jit3A_285, %eq3A_286 : i32
      %jit3A_288 = arith.constant 1 : i32
      %select_n3A_289 = arith.select %eq3A_287, %jit3A_288, %jit3A_285 : i32
      %rem3A_290 = arith.remsi %add3A_252, %select_n3A_289 : i32
      %ne3A_291 = arith.constant 0 : i32
      %ne3A_292 = arith.cmpi ne, %rem3A_290, %ne3A_291 : i32
      %lt3A_293 = arith.constant 0 : i32
      %lt3A_294 = arith.cmpi slt, %rem3A_290, %lt3A_293 : i32
      %lt3A_295 = arith.constant 0 : i32
      %lt3A_296 = arith.cmpi slt, %select_n3A_289, %lt3A_295 : i32
      %ne3A_297 = arith.xori %lt3A_294, %lt3A_296 : i1
      %and3A_298 = arith.andi %ne3A_297, %ne3A_292 : i1
      %add3A_299 = arith.addi %rem3A_290, %select_n3A_289 : i32
      %select_n3A_300 = arith.select %and3A_298, %add3A_299, %rem3A_290 : i32
      %select_n3A_301 = arith.select %eq3A_284, %add3A, %select_n3A_300 : i32
      %mul3A_302 = arith.constant 32 : i32
      %mul3A_303 = arith.muli %select_n3A_301, %mul3A_302 : i32
      %dma_start3A_304 = arith.constant 0 : i32
      %dma_start3A_305 = tpu.memref_slice %arg5[%select_n3A_282, %mul3A_303, %dma_start3A_304] : memref<51x1024x768xf32, #tpu.memory_space<hbm>> -> memref<1x32x768xf32, #tpu.memory_space<hbm>>
      %dma_start3A_306 = tpu.memref_squeeze %dma_start3A_305 : memref<1x32x768xf32, #tpu.memory_space<hbm>> -> memref<32x768xf32, #tpu.memory_space<hbm>>
      %dma_start3A_307 = arith.constant 0 : i32
      %dma_start3A_308 = tpu.memref_slice %arg5[%select_n3A_282, %mul3A_303, %dma_start3A_307] : memref<51x1024x768xf32, #tpu.memory_space<hbm>> -> memref<1x32x768xf32, #tpu.memory_space<hbm>>
      %dma_start3A_309 = tpu.memref_squeeze %dma_start3A_308 : memref<1x32x768xf32, #tpu.memory_space<hbm>> -> memref<32x768xf32, #tpu.memory_space<hbm>>
      tpu.enqueue_dma source(%arg7 : memref<32x768xf32, #tpu.memory_space<vmem>>) target(%dma_start3A_309 : memref<32x768xf32, #tpu.memory_space<hbm>>) target_semaphore(%arg13 : memref<!tpu.dma_semaphore, #tpu.memory_space<semaphore_mem>>)
      %add3A_310 = arith.constant 1 : i32
      %add3A_311 = arith.addi %add3A_239, %add3A_310 : i32
      %dma_wait3A_312 = arith.constant 0 : i32
      %dma_wait3A_313 = arith.constant 0 : i32
      %dma_wait3A_314 = tpu.memref_slice %arg3[%dma_wait3A_312, %dma_wait3A_313] : memref<1024x768xf32, #tpu.memory_space<hbm>> -> memref<32x768xf32, #tpu.memory_space<hbm>>
      %dma_wait3A_315 = arith.constant 0 : i32
      %dma_wait3A_316 = arith.constant 0 : i32
      %dma_wait3A_317 = tpu.memref_slice %arg3[%dma_wait3A_315, %dma_wait3A_316] : memref<1024x768xf32, #tpu.memory_space<hbm>> -> memref<32x768xf32, #tpu.memory_space<hbm>>
      tpu.wait_dma2 semaphore(%arg11 : memref<!tpu.dma_semaphore, #tpu.memory_space<semaphore_mem>>) src(%dma_wait3A_317 : memref<32x768xf32, #tpu.memory_space<hbm>>) dst(%arg8 : memref<32x768xf32, #tpu.memory_space<vmem>>)
      %mul3A_318 = arith.constant 50 : i32
      %mul3A_319 = arith.muli %add3A, %mul3A_318 : i32
      %sub3A_320 = arith.constant 1 : i32
      %sub3A_321 = arith.subi %add3A_311, %sub3A_320 : i32
      %add3A_322 = arith.addi %mul3A_319, %sub3A_321 : i32
      %eq3A_323 = arith.constant 0 : i32
      %eq3A_324 = arith.cmpi eq, %add3A_311, %eq3A_323 : i32
      %jit3A_325 = arith.constant 32 : i32
      %div3A_326 = arith.divsi %add3A_322, %jit3A_325 : i32
      %sign3A_327 = arith.constant 0 : i32
      %sign3A_328 = arith.cmpi sgt, %add3A_322, %sign3A_327 : i32
      %sign3A_329 = arith.extui %sign3A_328 : i1 to i32
      %sign3A_330 = arith.constant 0 : i32
      %sign3A_331 = arith.cmpi slt, %add3A_322, %sign3A_330 : i32
      %sign3A_332 = arith.extui %sign3A_331 : i1 to i32
      %sign3A_333 = arith.subi %sign3A_329, %sign3A_332 : i32
      %sign3A_334 = arith.constant 0 : i32
      %sign3A_335 = arith.cmpi sgt, %jit3A_325, %sign3A_334 : i32
      %sign3A_336 = arith.extui %sign3A_335 : i1 to i32
      %sign3A_337 = arith.constant 0 : i32
      %sign3A_338 = arith.cmpi slt, %jit3A_325, %sign3A_337 : i32
      %sign3A_339 = arith.extui %sign3A_338 : i1 to i32
      %sign3A_340 = arith.subi %sign3A_336, %sign3A_339 : i32
      %ne3A_341 = arith.cmpi ne, %sign3A_333, %sign3A_340 : i32
      %rem3A_342 = arith.remsi %add3A_322, %jit3A_325 : i32
      %ne3A_343 = arith.constant 0 : i32
      %ne3A_344 = arith.cmpi ne, %rem3A_342, %ne3A_343 : i32
      %and3A_345 = arith.andi %ne3A_341, %ne3A_344 : i1
      %sub3A_346 = arith.constant 1 : i32
      %sub3A_347 = arith.subi %div3A_326, %sub3A_346 : i32
      %select_n3A_348 = arith.select %and3A_345, %sub3A_347, %div3A_326 : i32
      %add3A_349 = arith.constant 1 : i32
      %add3A_350 = arith.addi %select_n3A_348, %add3A_349 : i32
      %jit3A_351 = arith.constant 0 : i32
      %select_n3A_352 = arith.select %eq3A_324, %jit3A_351, %add3A_350 : i32
      %eq3A_353 = arith.constant 0 : i32
      %eq3A_354 = arith.cmpi eq, %add3A_311, %eq3A_353 : i32
      %jit3A_355 = arith.constant 32 : i32
      %eq3A_356 = arith.constant 0 : i32
      %eq3A_357 = arith.cmpi eq, %jit3A_355, %eq3A_356 : i32
      %jit3A_358 = arith.constant 1 : i32
      %select_n3A_359 = arith.select %eq3A_357, %jit3A_358, %jit3A_355 : i32
      %rem3A_360 = arith.remsi %add3A_322, %select_n3A_359 : i32
      %ne3A_361 = arith.constant 0 : i32
      %ne3A_362 = arith.cmpi ne, %rem3A_360, %ne3A_361 : i32
      %lt3A_363 = arith.constant 0 : i32
      %lt3A_364 = arith.cmpi slt, %rem3A_360, %lt3A_363 : i32
      %lt3A_365 = arith.constant 0 : i32
      %lt3A_366 = arith.cmpi slt, %select_n3A_359, %lt3A_365 : i32
      %ne3A_367 = arith.xori %lt3A_364, %lt3A_366 : i1
      %and3A_368 = arith.andi %ne3A_367, %ne3A_362 : i1
      %add3A_369 = arith.addi %rem3A_360, %select_n3A_359 : i32
      %select_n3A_370 = arith.select %and3A_368, %add3A_369, %rem3A_360 : i32
      %select_n3A_371 = arith.select %eq3A_354, %add3A, %select_n3A_370 : i32
      %mul3A_372 = arith.constant 32 : i32
      %mul3A_373 = arith.muli %select_n3A_371, %mul3A_372 : i32
      %dma_start3A_374 = arith.constant 0 : i32
      %dma_start3A_375 = tpu.memref_slice %arg5[%select_n3A_352, %mul3A_373, %dma_start3A_374] : memref<51x1024x768xf32, #tpu.memory_space<hbm>> -> memref<1x32x768xf32, #tpu.memory_space<hbm>>
      %dma_start3A_376 = tpu.memref_squeeze %dma_start3A_375 : memref<1x32x768xf32, #tpu.memory_space<hbm>> -> memref<32x768xf32, #tpu.memory_space<hbm>>
      %dma_start3A_377 = arith.constant 0 : i32
      %dma_start3A_378 = tpu.memref_slice %arg5[%select_n3A_352, %mul3A_373, %dma_start3A_377] : memref<51x1024x768xf32, #tpu.memory_space<hbm>> -> memref<1x32x768xf32, #tpu.memory_space<hbm>>
      %dma_start3A_379 = tpu.memref_squeeze %dma_start3A_378 : memref<1x32x768xf32, #tpu.memory_space<hbm>> -> memref<32x768xf32, #tpu.memory_space<hbm>>
      tpu.enqueue_dma source(%arg8 : memref<32x768xf32, #tpu.memory_space<vmem>>) target(%dma_start3A_379 : memref<32x768xf32, #tpu.memory_space<hbm>>) target_semaphore(%arg14 : memref<!tpu.dma_semaphore, #tpu.memory_space<semaphore_mem>>)
      %add3A_380 = arith.constant 2 : i32
      %add3A_381 = arith.addi %add3A_239, %add3A_380 : i32
      %dma_wait3A_382 = arith.constant 0 : i32
      %dma_wait3A_383 = arith.constant 0 : i32
      %dma_wait3A_384 = tpu.memref_slice %arg3[%dma_wait3A_382, %dma_wait3A_383] : memref<1024x768xf32, #tpu.memory_space<hbm>> -> memref<32x768xf32, #tpu.memory_space<hbm>>
      %dma_wait3A_385 = arith.constant 0 : i32
      %dma_wait3A_386 = arith.constant 0 : i32
      %dma_wait3A_387 = tpu.memref_slice %arg3[%dma_wait3A_385, %dma_wait3A_386] : memref<1024x768xf32, #tpu.memory_space<hbm>> -> memref<32x768xf32, #tpu.memory_space<hbm>>
      tpu.wait_dma2 semaphore(%arg12 : memref<!tpu.dma_semaphore, #tpu.memory_space<semaphore_mem>>) src(%dma_wait3A_387 : memref<32x768xf32, #tpu.memory_space<hbm>>) dst(%arg9 : memref<32x768xf32, #tpu.memory_space<vmem>>)
      %mul3A_388 = arith.constant 50 : i32
      %mul3A_389 = arith.muli %add3A, %mul3A_388 : i32
      %sub3A_390 = arith.constant 1 : i32
      %sub3A_391 = arith.subi %add3A_381, %sub3A_390 : i32
      %add3A_392 = arith.addi %mul3A_389, %sub3A_391 : i32
      %eq3A_393 = arith.constant 0 : i32
      %eq3A_394 = arith.cmpi eq, %add3A_381, %eq3A_393 : i32
      %jit3A_395 = arith.constant 32 : i32
      %div3A_396 = arith.divsi %add3A_392, %jit3A_395 : i32
      %sign3A_397 = arith.constant 0 : i32
      %sign3A_398 = arith.cmpi sgt, %add3A_392, %sign3A_397 : i32
      %sign3A_399 = arith.extui %sign3A_398 : i1 to i32
      %sign3A_400 = arith.constant 0 : i32
      %sign3A_401 = arith.cmpi slt, %add3A_392, %sign3A_400 : i32
      %sign3A_402 = arith.extui %sign3A_401 : i1 to i32
      %sign3A_403 = arith.subi %sign3A_399, %sign3A_402 : i32
      %sign3A_404 = arith.constant 0 : i32
      %sign3A_405 = arith.cmpi sgt, %jit3A_395, %sign3A_404 : i32
      %sign3A_406 = arith.extui %sign3A_405 : i1 to i32
      %sign3A_407 = arith.constant 0 : i32
      %sign3A_408 = arith.cmpi slt, %jit3A_395, %sign3A_407 : i32
      %sign3A_409 = arith.extui %sign3A_408 : i1 to i32
      %sign3A_410 = arith.subi %sign3A_406, %sign3A_409 : i32
      %ne3A_411 = arith.cmpi ne, %sign3A_403, %sign3A_410 : i32
      %rem3A_412 = arith.remsi %add3A_392, %jit3A_395 : i32
      %ne3A_413 = arith.constant 0 : i32
      %ne3A_414 = arith.cmpi ne, %rem3A_412, %ne3A_413 : i32
      %and3A_415 = arith.andi %ne3A_411, %ne3A_414 : i1
      %sub3A_416 = arith.constant 1 : i32
      %sub3A_417 = arith.subi %div3A_396, %sub3A_416 : i32
      %select_n3A_418 = arith.select %and3A_415, %sub3A_417, %div3A_396 : i32
      %add3A_419 = arith.constant 1 : i32
      %add3A_420 = arith.addi %select_n3A_418, %add3A_419 : i32
      %jit3A_421 = arith.constant 0 : i32
      %select_n3A_422 = arith.select %eq3A_394, %jit3A_421, %add3A_420 : i32
      %eq3A_423 = arith.constant 0 : i32
      %eq3A_424 = arith.cmpi eq, %add3A_381, %eq3A_423 : i32
      %jit3A_425 = arith.constant 32 : i32
      %eq3A_426 = arith.constant 0 : i32
      %eq3A_427 = arith.cmpi eq, %jit3A_425, %eq3A_426 : i32
      %jit3A_428 = arith.constant 1 : i32
      %select_n3A_429 = arith.select %eq3A_427, %jit3A_428, %jit3A_425 : i32
      %rem3A_430 = arith.remsi %add3A_392, %select_n3A_429 : i32
      %ne3A_431 = arith.constant 0 : i32
      %ne3A_432 = arith.cmpi ne, %rem3A_430, %ne3A_431 : i32
      %lt3A_433 = arith.constant 0 : i32
      %lt3A_434 = arith.cmpi slt, %rem3A_430, %lt3A_433 : i32
      %lt3A_435 = arith.constant 0 : i32
      %lt3A_436 = arith.cmpi slt, %select_n3A_429, %lt3A_435 : i32
      %ne3A_437 = arith.xori %lt3A_434, %lt3A_436 : i1
      %and3A_438 = arith.andi %ne3A_437, %ne3A_432 : i1
      %add3A_439 = arith.addi %rem3A_430, %select_n3A_429 : i32
      %select_n3A_440 = arith.select %and3A_438, %add3A_439, %rem3A_430 : i32
      %select_n3A_441 = arith.select %eq3A_424, %add3A, %select_n3A_440 : i32
      %mul3A_442 = arith.constant 32 : i32
      %mul3A_443 = arith.muli %select_n3A_441, %mul3A_442 : i32
      %dma_start3A_444 = arith.constant 0 : i32
      %dma_start3A_445 = tpu.memref_slice %arg5[%select_n3A_422, %mul3A_443, %dma_start3A_444] : memref<51x1024x768xf32, #tpu.memory_space<hbm>> -> memref<1x32x768xf32, #tpu.memory_space<hbm>>
      %dma_start3A_446 = tpu.memref_squeeze %dma_start3A_445 : memref<1x32x768xf32, #tpu.memory_space<hbm>> -> memref<32x768xf32, #tpu.memory_space<hbm>>
      %dma_start3A_447 = arith.constant 0 : i32
      %dma_start3A_448 = tpu.memref_slice %arg5[%select_n3A_422, %mul3A_443, %dma_start3A_447] : memref<51x1024x768xf32, #tpu.memory_space<hbm>> -> memref<1x32x768xf32, #tpu.memory_space<hbm>>
      %dma_start3A_449 = tpu.memref_squeeze %dma_start3A_448 : memref<1x32x768xf32, #tpu.memory_space<hbm>> -> memref<32x768xf32, #tpu.memory_space<hbm>>
      tpu.enqueue_dma source(%arg9 : memref<32x768xf32, #tpu.memory_space<vmem>>) target(%dma_start3A_449 : memref<32x768xf32, #tpu.memory_space<hbm>>) target_semaphore(%arg15 : memref<!tpu.dma_semaphore, #tpu.memory_space<semaphore_mem>>)
      %dma_wait3A_450 = arith.constant 0 : i32
      %dma_wait3A_451 = arith.constant 0 : i32
      %dma_wait3A_452 = arith.constant 0 : i32
      %dma_wait3A_453 = tpu.memref_slice %arg5[%dma_wait3A_450, %dma_wait3A_451, %dma_wait3A_452] : memref<51x1024x768xf32, #tpu.memory_space<hbm>> -> memref<1x32x768xf32, #tpu.memory_space<hbm>>
      %dma_wait3A_454 = tpu.memref_squeeze %dma_wait3A_453 : memref<1x32x768xf32, #tpu.memory_space<hbm>> -> memref<32x768xf32, #tpu.memory_space<hbm>>
      %dma_wait3A_455 = arith.constant 0 : i32
      %dma_wait3A_456 = arith.constant 0 : i32
      %dma_wait3A_457 = tpu.memref_slice %arg5[%dma_wait3A_450, %dma_wait3A_455, %dma_wait3A_456] : memref<51x1024x768xf32, #tpu.memory_space<hbm>> -> memref<1x32x768xf32, #tpu.memory_space<hbm>>
      %dma_wait3A_458 = tpu.memref_squeeze %dma_wait3A_457 : memref<1x32x768xf32, #tpu.memory_space<hbm>> -> memref<32x768xf32, #tpu.memory_space<hbm>>
      tpu.wait_dma2 semaphore(%arg13 : memref<!tpu.dma_semaphore, #tpu.memory_space<semaphore_mem>>) src(%arg7 : memref<32x768xf32, #tpu.memory_space<vmem>>) dst(%dma_wait3A_458 : memref<32x768xf32, #tpu.memory_space<hbm>>)
      %add3A_459 = arith.constant 3 : i32
      %add3A_460 = arith.addi %add3A_239, %add3A_459 : i32
      %add3A_461 = arith.constant 0 : i32
      %add3A_462 = arith.addi %add3A_460, %add3A_461 : i32
      %eq3A_463 = arith.constant 0 : i32
      %eq3A_464 = arith.cmpi eq, %add3A_462, %eq3A_463 : i32
      %convert_element_type3A = arith.extui %eq3A_464 : i1 to i32
      %cond3A = arith.constant 0 : i32
      %cond3A_465 = arith.cmpi ne, %convert_element_type3A, %cond3A : i32
      scf.if %cond3A_465 {
        %mul3A_516 = arith.constant 32 : i32
        %mul3A_517 = arith.muli %add3A, %mul3A_516 : i32
        %dma_start3A_518 = arith.constant 0 : i32
        %dma_start3A_519 = tpu.memref_slice %arg3[%mul3A_517, %dma_start3A_518] : memref<1024x768xf32, #tpu.memory_space<hbm>> -> memref<32x768xf32, #tpu.memory_space<hbm>>
        %dma_start3A_520 = arith.constant 0 : i32
        %dma_start3A_521 = tpu.memref_slice %arg3[%mul3A_517, %dma_start3A_520] : memref<1024x768xf32, #tpu.memory_space<hbm>> -> memref<32x768xf32, #tpu.memory_space<hbm>>
        tpu.enqueue_dma source(%dma_start3A_521 : memref<32x768xf32, #tpu.memory_space<hbm>>) target(%arg7 : memref<32x768xf32, #tpu.memory_space<vmem>>) target_semaphore(%arg10 : memref<!tpu.dma_semaphore, #tpu.memory_space<semaphore_mem>>)
      } else {
      }
      %gt3A = arith.constant 0 : i32
      %gt3A_466 = arith.cmpi sgt, %add3A_462, %gt3A : i32
      %convert_element_type3A_467 = arith.extui %gt3A_466 : i1 to i32
      %cond3A_468 = arith.constant 0 : i32
      %cond3A_469 = arith.cmpi ne, %convert_element_type3A_467, %cond3A_468 : i32
      scf.if %cond3A_469 {
        %sub3A_516 = arith.constant 1 : i32
        %sub3A_517 = arith.subi %add3A_462, %sub3A_516 : i32
        %mul3A_518 = arith.constant 32 : i32
        %mul3A_519 = arith.muli %sub3A_517, %mul3A_518 : i32
        %dma_start3A_520 = tpu.memref_slice %arg6[%mul3A_519] : memref<1600xi32, #tpu.memory_space<vmem>> -> memref<32xi32, #tpu.memory_space<vmem>>
        %dma_start3A_521 = arith.constant 0 : i32
        %dma_start3A_522 = arith.constant 0 : i32
        %dma_start3A_523 = tpu.memref_slice %arg4[%dma_start3A_521, %dma_start3A_522] : memref<100000x768xf32, #tpu.memory_space<hbm>> -> memref<100000x768xf32, #tpu.memory_space<hbm>>
        tpu.enqueue_indirect_dma source(%dma_start3A_523 : memref<100000x768xf32, #tpu.memory_space<hbm>>) target(%arg7 : memref<32x768xf32, #tpu.memory_space<vmem>>) offsets(%dma_start3A_520 : memref<32xi32, #tpu.memory_space<vmem>>) semaphore(%arg10 : memref<!tpu.dma_semaphore, #tpu.memory_space<semaphore_mem>>)
      } else {
      }
      %dma_wait3A_470 = arith.constant 0 : i32
      %dma_wait3A_471 = arith.constant 0 : i32
      %dma_wait3A_472 = arith.constant 0 : i32
      %dma_wait3A_473 = tpu.memref_slice %arg5[%dma_wait3A_470, %dma_wait3A_471, %dma_wait3A_472] : memref<51x1024x768xf32, #tpu.memory_space<hbm>> -> memref<1x32x768xf32, #tpu.memory_space<hbm>>
      %dma_wait3A_474 = tpu.memref_squeeze %dma_wait3A_473 : memref<1x32x768xf32, #tpu.memory_space<hbm>> -> memref<32x768xf32, #tpu.memory_space<hbm>>
      %dma_wait3A_475 = arith.constant 0 : i32
      %dma_wait3A_476 = arith.constant 0 : i32
      %dma_wait3A_477 = tpu.memref_slice %arg5[%dma_wait3A_470, %dma_wait3A_475, %dma_wait3A_476] : memref<51x1024x768xf32, #tpu.memory_space<hbm>> -> memref<1x32x768xf32, #tpu.memory_space<hbm>>
      %dma_wait3A_478 = tpu.memref_squeeze %dma_wait3A_477 : memref<1x32x768xf32, #tpu.memory_space<hbm>> -> memref<32x768xf32, #tpu.memory_space<hbm>>
      tpu.wait_dma2 semaphore(%arg14 : memref<!tpu.dma_semaphore, #tpu.memory_space<semaphore_mem>>) src(%arg8 : memref<32x768xf32, #tpu.memory_space<vmem>>) dst(%dma_wait3A_478 : memref<32x768xf32, #tpu.memory_space<hbm>>)
      %add3A_479 = arith.constant 3 : i32
      %add3A_480 = arith.addi %add3A_239, %add3A_479 : i32
      %add3A_481 = arith.constant 1 : i32
      %add3A_482 = arith.addi %add3A_480, %add3A_481 : i32
      %eq3A_483 = arith.constant 0 : i32
      %eq3A_484 = arith.cmpi eq, %add3A_482, %eq3A_483 : i32
      %convert_element_type3A_485 = arith.extui %eq3A_484 : i1 to i32
      %cond3A_486 = arith.constant 0 : i32
      %cond3A_487 = arith.cmpi ne, %convert_element_type3A_485, %cond3A_486 : i32
      scf.if %cond3A_487 {
        %mul3A_516 = arith.constant 32 : i32
        %mul3A_517 = arith.muli %add3A, %mul3A_516 : i32
        %dma_start3A_518 = arith.constant 0 : i32
        %dma_start3A_519 = tpu.memref_slice %arg3[%mul3A_517, %dma_start3A_518] : memref<1024x768xf32, #tpu.memory_space<hbm>> -> memref<32x768xf32, #tpu.memory_space<hbm>>
        %dma_start3A_520 = arith.constant 0 : i32
        %dma_start3A_521 = tpu.memref_slice %arg3[%mul3A_517, %dma_start3A_520] : memref<1024x768xf32, #tpu.memory_space<hbm>> -> memref<32x768xf32, #tpu.memory_space<hbm>>
        tpu.enqueue_dma source(%dma_start3A_521 : memref<32x768xf32, #tpu.memory_space<hbm>>) target(%arg8 : memref<32x768xf32, #tpu.memory_space<vmem>>) target_semaphore(%arg11 : memref<!tpu.dma_semaphore, #tpu.memory_space<semaphore_mem>>)
      } else {
      }
      %gt3A_488 = arith.constant 0 : i32
      %gt3A_489 = arith.cmpi sgt, %add3A_482, %gt3A_488 : i32
      %convert_element_type3A_490 = arith.extui %gt3A_489 : i1 to i32
      %cond3A_491 = arith.constant 0 : i32
      %cond3A_492 = arith.cmpi ne, %convert_element_type3A_490, %cond3A_491 : i32
      scf.if %cond3A_492 {
        %sub3A_516 = arith.constant 1 : i32
        %sub3A_517 = arith.subi %add3A_482, %sub3A_516 : i32
        %mul3A_518 = arith.constant 32 : i32
        %mul3A_519 = arith.muli %sub3A_517, %mul3A_518 : i32
        %dma_start3A_520 = tpu.memref_slice %arg6[%mul3A_519] : memref<1600xi32, #tpu.memory_space<vmem>> -> memref<32xi32, #tpu.memory_space<vmem>>
        %dma_start3A_521 = arith.constant 0 : i32
        %dma_start3A_522 = arith.constant 0 : i32
        %dma_start3A_523 = tpu.memref_slice %arg4[%dma_start3A_521, %dma_start3A_522] : memref<100000x768xf32, #tpu.memory_space<hbm>> -> memref<100000x768xf32, #tpu.memory_space<hbm>>
        tpu.enqueue_indirect_dma source(%dma_start3A_523 : memref<100000x768xf32, #tpu.memory_space<hbm>>) target(%arg8 : memref<32x768xf32, #tpu.memory_space<vmem>>) offsets(%dma_start3A_520 : memref<32xi32, #tpu.memory_space<vmem>>) semaphore(%arg11 : memref<!tpu.dma_semaphore, #tpu.memory_space<semaphore_mem>>)
      } else {
      }
      %dma_wait3A_493 = arith.constant 0 : i32
      %dma_wait3A_494 = arith.constant 0 : i32
      %dma_wait3A_495 = arith.constant 0 : i32
      %dma_wait3A_496 = tpu.memref_slice %arg5[%dma_wait3A_493, %dma_wait3A_494, %dma_wait3A_495] : memref<51x1024x768xf32, #tpu.memory_space<hbm>> -> memref<1x32x768xf32, #tpu.memory_space<hbm>>
      %dma_wait3A_497 = tpu.memref_squeeze %dma_wait3A_496 : memref<1x32x768xf32, #tpu.memory_space<hbm>> -> memref<32x768xf32, #tpu.memory_space<hbm>>
      %dma_wait3A_498 = arith.constant 0 : i32
      %dma_wait3A_499 = arith.constant 0 : i32
      %dma_wait3A_500 = tpu.memref_slice %arg5[%dma_wait3A_493, %dma_wait3A_498, %dma_wait3A_499] : memref<51x1024x768xf32, #tpu.memory_space<hbm>> -> memref<1x32x768xf32, #tpu.memory_space<hbm>>
      %dma_wait3A_501 = tpu.memref_squeeze %dma_wait3A_500 : memref<1x32x768xf32, #tpu.memory_space<hbm>> -> memref<32x768xf32, #tpu.memory_space<hbm>>
      tpu.wait_dma2 semaphore(%arg15 : memref<!tpu.dma_semaphore, #tpu.memory_space<semaphore_mem>>) src(%arg9 : memref<32x768xf32, #tpu.memory_space<vmem>>) dst(%dma_wait3A_501 : memref<32x768xf32, #tpu.memory_space<hbm>>)
      %add3A_502 = arith.constant 3 : i32
      %add3A_503 = arith.addi %add3A_239, %add3A_502 : i32
      %add3A_504 = arith.constant 2 : i32
      %add3A_505 = arith.addi %add3A_503, %add3A_504 : i32
      %eq3A_506 = arith.constant 0 : i32
      %eq3A_507 = arith.cmpi eq, %add3A_505, %eq3A_506 : i32
      %convert_element_type3A_508 = arith.extui %eq3A_507 : i1 to i32
      %cond3A_509 = arith.constant 0 : i32
      %cond3A_510 = arith.cmpi ne, %convert_element_type3A_508, %cond3A_509 : i32
      scf.if %cond3A_510 {
        %mul3A_516 = arith.constant 32 : i32
        %mul3A_517 = arith.muli %add3A, %mul3A_516 : i32
        %dma_start3A_518 = arith.constant 0 : i32
        %dma_start3A_519 = tpu.memref_slice %arg3[%mul3A_517, %dma_start3A_518] : memref<1024x768xf32, #tpu.memory_space<hbm>> -> memref<32x768xf32, #tpu.memory_space<hbm>>
        %dma_start3A_520 = arith.constant 0 : i32
        %dma_start3A_521 = tpu.memref_slice %arg3[%mul3A_517, %dma_start3A_520] : memref<1024x768xf32, #tpu.memory_space<hbm>> -> memref<32x768xf32, #tpu.memory_space<hbm>>
        tpu.enqueue_dma source(%dma_start3A_521 : memref<32x768xf32, #tpu.memory_space<hbm>>) target(%arg9 : memref<32x768xf32, #tpu.memory_space<vmem>>) target_semaphore(%arg12 : memref<!tpu.dma_semaphore, #tpu.memory_space<semaphore_mem>>)
      } else {
      }
      %gt3A_511 = arith.constant 0 : i32
      %gt3A_512 = arith.cmpi sgt, %add3A_505, %gt3A_511 : i32
      %convert_element_type3A_513 = arith.extui %gt3A_512 : i1 to i32
      %cond3A_514 = arith.constant 0 : i32
      %cond3A_515 = arith.cmpi ne, %convert_element_type3A_513, %cond3A_514 : i32
      scf.if %cond3A_515 {
        %sub3A_516 = arith.constant 1 : i32
        %sub3A_517 = arith.subi %add3A_505, %sub3A_516 : i32
        %mul3A_518 = arith.constant 32 : i32
        %mul3A_519 = arith.muli %sub3A_517, %mul3A_518 : i32
        %dma_start3A_520 = tpu.memref_slice %arg6[%mul3A_519] : memref<1600xi32, #tpu.memory_space<vmem>> -> memref<32xi32, #tpu.memory_space<vmem>>
        %dma_start3A_521 = arith.constant 0 : i32
        %dma_start3A_522 = arith.constant 0 : i32
        %dma_start3A_523 = tpu.memref_slice %arg4[%dma_start3A_521, %dma_start3A_522] : memref<100000x768xf32, #tpu.memory_space<hbm>> -> memref<100000x768xf32, #tpu.memory_space<hbm>>
        tpu.enqueue_indirect_dma source(%dma_start3A_523 : memref<100000x768xf32, #tpu.memory_space<hbm>>) target(%arg9 : memref<32x768xf32, #tpu.memory_space<vmem>>) offsets(%dma_start3A_520 : memref<32xi32, #tpu.memory_space<vmem>>) semaphore(%arg12 : memref<!tpu.dma_semaphore, #tpu.memory_space<semaphore_mem>>)
      } else {
      }
    }
    %scan3A_23 = arith.constant 16 : i32
    %dma_wait3A = arith.constant 0 : i32
    %dma_wait3A_24 = arith.constant 0 : i32
    %dma_wait3A_25 = tpu.memref_slice %arg3[%dma_wait3A, %dma_wait3A_24] : memref<1024x768xf32, #tpu.memory_space<hbm>> -> memref<32x768xf32, #tpu.memory_space<hbm>>
    %dma_wait3A_26 = arith.constant 0 : i32
    %dma_wait3A_27 = arith.constant 0 : i32
    %dma_wait3A_28 = tpu.memref_slice %arg3[%dma_wait3A_26, %dma_wait3A_27] : memref<1024x768xf32, #tpu.memory_space<hbm>> -> memref<32x768xf32, #tpu.memory_space<hbm>>
    tpu.wait_dma2 semaphore(%arg10 : memref<!tpu.dma_semaphore, #tpu.memory_space<semaphore_mem>>) src(%dma_wait3A_28 : memref<32x768xf32, #tpu.memory_space<hbm>>) dst(%arg7 : memref<32x768xf32, #tpu.memory_space<vmem>>)
    %mul3A_29 = arith.constant 50 : i32
    %mul3A_30 = arith.muli %add3A, %mul3A_29 : i32
    %add3A_31 = arith.constant 47 : i32
    %add3A_32 = arith.addi %mul3A_30, %add3A_31 : i32
    %jit3A = arith.constant 32 : i32
    %div3A = arith.divsi %add3A_32, %jit3A : i32
    %sign3A = arith.constant 0 : i32
    %sign3A_33 = arith.cmpi sgt, %add3A_32, %sign3A : i32
    %sign3A_34 = arith.extui %sign3A_33 : i1 to i32
    %sign3A_35 = arith.constant 0 : i32
    %sign3A_36 = arith.cmpi slt, %add3A_32, %sign3A_35 : i32
    %sign3A_37 = arith.extui %sign3A_36 : i1 to i32
    %sign3A_38 = arith.subi %sign3A_34, %sign3A_37 : i32
    %sign3A_39 = arith.constant 0 : i32
    %sign3A_40 = arith.cmpi sgt, %jit3A, %sign3A_39 : i32
    %sign3A_41 = arith.extui %sign3A_40 : i1 to i32
    %sign3A_42 = arith.constant 0 : i32
    %sign3A_43 = arith.cmpi slt, %jit3A, %sign3A_42 : i32
    %sign3A_44 = arith.extui %sign3A_43 : i1 to i32
    %sign3A_45 = arith.subi %sign3A_41, %sign3A_44 : i32
    %ne3A = arith.cmpi ne, %sign3A_38, %sign3A_45 : i32
    %rem3A = arith.remsi %add3A_32, %jit3A : i32
    %ne3A_46 = arith.constant 0 : i32
    %ne3A_47 = arith.cmpi ne, %rem3A, %ne3A_46 : i32
    %and3A = arith.andi %ne3A, %ne3A_47 : i1
    %sub3A = arith.constant 1 : i32
    %sub3A_48 = arith.subi %div3A, %sub3A : i32
    %select_n3A = arith.select %and3A, %sub3A_48, %div3A : i32
    %add3A_49 = arith.constant 1 : i32
    %add3A_50 = arith.addi %select_n3A, %add3A_49 : i32
    %jit3A_51 = arith.constant false
    %jit3A_52 = arith.constant 0 : i32
    %select_n3A_53 = arith.select %jit3A_51, %jit3A_52, %add3A_50 : i32
    %jit3A_54 = arith.constant 32 : i32
    %eq3A = arith.constant 0 : i32
    %eq3A_55 = arith.cmpi eq, %jit3A_54, %eq3A : i32
    %jit3A_56 = arith.constant 1 : i32
    %select_n3A_57 = arith.select %eq3A_55, %jit3A_56, %jit3A_54 : i32
    %rem3A_58 = arith.remsi %add3A_32, %select_n3A_57 : i32
    %ne3A_59 = arith.constant 0 : i32
    %ne3A_60 = arith.cmpi ne, %rem3A_58, %ne3A_59 : i32
    %lt3A = arith.constant 0 : i32
    %lt3A_61 = arith.cmpi slt, %rem3A_58, %lt3A : i32
    %lt3A_62 = arith.constant 0 : i32
    %lt3A_63 = arith.cmpi slt, %select_n3A_57, %lt3A_62 : i32
    %ne3A_64 = arith.xori %lt3A_61, %lt3A_63 : i1
    %and3A_65 = arith.andi %ne3A_64, %ne3A_60 : i1
    %add3A_66 = arith.addi %rem3A_58, %select_n3A_57 : i32
    %select_n3A_67 = arith.select %and3A_65, %add3A_66, %rem3A_58 : i32
    %jit3A_68 = arith.constant false
    %select_n3A_69 = arith.select %jit3A_68, %add3A, %select_n3A_67 : i32
    %mul3A_70 = arith.constant 32 : i32
    %mul3A_71 = arith.muli %select_n3A_69, %mul3A_70 : i32
    %dma_start3A_72 = arith.constant 0 : i32
    %dma_start3A_73 = tpu.memref_slice %arg5[%select_n3A_53, %mul3A_71, %dma_start3A_72] : memref<51x1024x768xf32, #tpu.memory_space<hbm>> -> memref<1x32x768xf32, #tpu.memory_space<hbm>>
    %dma_start3A_74 = tpu.memref_squeeze %dma_start3A_73 : memref<1x32x768xf32, #tpu.memory_space<hbm>> -> memref<32x768xf32, #tpu.memory_space<hbm>>
    %dma_start3A_75 = arith.constant 0 : i32
    %dma_start3A_76 = tpu.memref_slice %arg5[%select_n3A_53, %mul3A_71, %dma_start3A_75] : memref<51x1024x768xf32, #tpu.memory_space<hbm>> -> memref<1x32x768xf32, #tpu.memory_space<hbm>>
    %dma_start3A_77 = tpu.memref_squeeze %dma_start3A_76 : memref<1x32x768xf32, #tpu.memory_space<hbm>> -> memref<32x768xf32, #tpu.memory_space<hbm>>
    tpu.enqueue_dma source(%arg7 : memref<32x768xf32, #tpu.memory_space<vmem>>) target(%dma_start3A_77 : memref<32x768xf32, #tpu.memory_space<hbm>>) target_semaphore(%arg13 : memref<!tpu.dma_semaphore, #tpu.memory_space<semaphore_mem>>)
    %dma_wait3A_78 = arith.constant 0 : i32
    %dma_wait3A_79 = arith.constant 0 : i32
    %dma_wait3A_80 = tpu.memref_slice %arg3[%dma_wait3A_78, %dma_wait3A_79] : memref<1024x768xf32, #tpu.memory_space<hbm>> -> memref<32x768xf32, #tpu.memory_space<hbm>>
    %dma_wait3A_81 = arith.constant 0 : i32
    %dma_wait3A_82 = arith.constant 0 : i32
    %dma_wait3A_83 = tpu.memref_slice %arg3[%dma_wait3A_81, %dma_wait3A_82] : memref<1024x768xf32, #tpu.memory_space<hbm>> -> memref<32x768xf32, #tpu.memory_space<hbm>>
    tpu.wait_dma2 semaphore(%arg11 : memref<!tpu.dma_semaphore, #tpu.memory_space<semaphore_mem>>) src(%dma_wait3A_83 : memref<32x768xf32, #tpu.memory_space<hbm>>) dst(%arg8 : memref<32x768xf32, #tpu.memory_space<vmem>>)
    %mul3A_84 = arith.constant 50 : i32
    %mul3A_85 = arith.muli %add3A, %mul3A_84 : i32
    %add3A_86 = arith.constant 48 : i32
    %add3A_87 = arith.addi %mul3A_85, %add3A_86 : i32
    %jit3A_88 = arith.constant 32 : i32
    %div3A_89 = arith.divsi %add3A_87, %jit3A_88 : i32
    %sign3A_90 = arith.constant 0 : i32
    %sign3A_91 = arith.cmpi sgt, %add3A_87, %sign3A_90 : i32
    %sign3A_92 = arith.extui %sign3A_91 : i1 to i32
    %sign3A_93 = arith.constant 0 : i32
    %sign3A_94 = arith.cmpi slt, %add3A_87, %sign3A_93 : i32
    %sign3A_95 = arith.extui %sign3A_94 : i1 to i32
    %sign3A_96 = arith.subi %sign3A_92, %sign3A_95 : i32
    %sign3A_97 = arith.constant 0 : i32
    %sign3A_98 = arith.cmpi sgt, %jit3A_88, %sign3A_97 : i32
    %sign3A_99 = arith.extui %sign3A_98 : i1 to i32
    %sign3A_100 = arith.constant 0 : i32
    %sign3A_101 = arith.cmpi slt, %jit3A_88, %sign3A_100 : i32
    %sign3A_102 = arith.extui %sign3A_101 : i1 to i32
    %sign3A_103 = arith.subi %sign3A_99, %sign3A_102 : i32
    %ne3A_104 = arith.cmpi ne, %sign3A_96, %sign3A_103 : i32
    %rem3A_105 = arith.remsi %add3A_87, %jit3A_88 : i32
    %ne3A_106 = arith.constant 0 : i32
    %ne3A_107 = arith.cmpi ne, %rem3A_105, %ne3A_106 : i32
    %and3A_108 = arith.andi %ne3A_104, %ne3A_107 : i1
    %sub3A_109 = arith.constant 1 : i32
    %sub3A_110 = arith.subi %div3A_89, %sub3A_109 : i32
    %select_n3A_111 = arith.select %and3A_108, %sub3A_110, %div3A_89 : i32
    %add3A_112 = arith.constant 1 : i32
    %add3A_113 = arith.addi %select_n3A_111, %add3A_112 : i32
    %jit3A_114 = arith.constant false
    %jit3A_115 = arith.constant 0 : i32
    %select_n3A_116 = arith.select %jit3A_114, %jit3A_115, %add3A_113 : i32
    %jit3A_117 = arith.constant 32 : i32
    %eq3A_118 = arith.constant 0 : i32
    %eq3A_119 = arith.cmpi eq, %jit3A_117, %eq3A_118 : i32
    %jit3A_120 = arith.constant 1 : i32
    %select_n3A_121 = arith.select %eq3A_119, %jit3A_120, %jit3A_117 : i32
    %rem3A_122 = arith.remsi %add3A_87, %select_n3A_121 : i32
    %ne3A_123 = arith.constant 0 : i32
    %ne3A_124 = arith.cmpi ne, %rem3A_122, %ne3A_123 : i32
    %lt3A_125 = arith.constant 0 : i32
    %lt3A_126 = arith.cmpi slt, %rem3A_122, %lt3A_125 : i32
    %lt3A_127 = arith.constant 0 : i32
    %lt3A_128 = arith.cmpi slt, %select_n3A_121, %lt3A_127 : i32
    %ne3A_129 = arith.xori %lt3A_126, %lt3A_128 : i1
    %and3A_130 = arith.andi %ne3A_129, %ne3A_124 : i1
    %add3A_131 = arith.addi %rem3A_122, %select_n3A_121 : i32
    %select_n3A_132 = arith.select %and3A_130, %add3A_131, %rem3A_122 : i32
    %jit3A_133 = arith.constant false
    %select_n3A_134 = arith.select %jit3A_133, %add3A, %select_n3A_132 : i32
    %mul3A_135 = arith.constant 32 : i32
    %mul3A_136 = arith.muli %select_n3A_134, %mul3A_135 : i32
    %dma_start3A_137 = arith.constant 0 : i32
    %dma_start3A_138 = tpu.memref_slice %arg5[%select_n3A_116, %mul3A_136, %dma_start3A_137] : memref<51x1024x768xf32, #tpu.memory_space<hbm>> -> memref<1x32x768xf32, #tpu.memory_space<hbm>>
    %dma_start3A_139 = tpu.memref_squeeze %dma_start3A_138 : memref<1x32x768xf32, #tpu.memory_space<hbm>> -> memref<32x768xf32, #tpu.memory_space<hbm>>
    %dma_start3A_140 = arith.constant 0 : i32
    %dma_start3A_141 = tpu.memref_slice %arg5[%select_n3A_116, %mul3A_136, %dma_start3A_140] : memref<51x1024x768xf32, #tpu.memory_space<hbm>> -> memref<1x32x768xf32, #tpu.memory_space<hbm>>
    %dma_start3A_142 = tpu.memref_squeeze %dma_start3A_141 : memref<1x32x768xf32, #tpu.memory_space<hbm>> -> memref<32x768xf32, #tpu.memory_space<hbm>>
    tpu.enqueue_dma source(%arg8 : memref<32x768xf32, #tpu.memory_space<vmem>>) target(%dma_start3A_142 : memref<32x768xf32, #tpu.memory_space<hbm>>) target_semaphore(%arg14 : memref<!tpu.dma_semaphore, #tpu.memory_space<semaphore_mem>>)
    %dma_wait3A_143 = arith.constant 0 : i32
    %dma_wait3A_144 = arith.constant 0 : i32
    %dma_wait3A_145 = tpu.memref_slice %arg3[%dma_wait3A_143, %dma_wait3A_144] : memref<1024x768xf32, #tpu.memory_space<hbm>> -> memref<32x768xf32, #tpu.memory_space<hbm>>
    %dma_wait3A_146 = arith.constant 0 : i32
    %dma_wait3A_147 = arith.constant 0 : i32
    %dma_wait3A_148 = tpu.memref_slice %arg3[%dma_wait3A_146, %dma_wait3A_147] : memref<1024x768xf32, #tpu.memory_space<hbm>> -> memref<32x768xf32, #tpu.memory_space<hbm>>
    tpu.wait_dma2 semaphore(%arg12 : memref<!tpu.dma_semaphore, #tpu.memory_space<semaphore_mem>>) src(%dma_wait3A_148 : memref<32x768xf32, #tpu.memory_space<hbm>>) dst(%arg9 : memref<32x768xf32, #tpu.memory_space<vmem>>)
    %mul3A_149 = arith.constant 50 : i32
    %mul3A_150 = arith.muli %add3A, %mul3A_149 : i32
    %add3A_151 = arith.constant 49 : i32
    %add3A_152 = arith.addi %mul3A_150, %add3A_151 : i32
    %jit3A_153 = arith.constant 32 : i32
    %div3A_154 = arith.divsi %add3A_152, %jit3A_153 : i32
    %sign3A_155 = arith.constant 0 : i32
    %sign3A_156 = arith.cmpi sgt, %add3A_152, %sign3A_155 : i32
    %sign3A_157 = arith.extui %sign3A_156 : i1 to i32
    %sign3A_158 = arith.constant 0 : i32
    %sign3A_159 = arith.cmpi slt, %add3A_152, %sign3A_158 : i32
    %sign3A_160 = arith.extui %sign3A_159 : i1 to i32
    %sign3A_161 = arith.subi %sign3A_157, %sign3A_160 : i32
    %sign3A_162 = arith.constant 0 : i32
    %sign3A_163 = arith.cmpi sgt, %jit3A_153, %sign3A_162 : i32
    %sign3A_164 = arith.extui %sign3A_163 : i1 to i32
    %sign3A_165 = arith.constant 0 : i32
    %sign3A_166 = arith.cmpi slt, %jit3A_153, %sign3A_165 : i32
    %sign3A_167 = arith.extui %sign3A_166 : i1 to i32
    %sign3A_168 = arith.subi %sign3A_164, %sign3A_167 : i32
    %ne3A_169 = arith.cmpi ne, %sign3A_161, %sign3A_168 : i32
    %rem3A_170 = arith.remsi %add3A_152, %jit3A_153 : i32
    %ne3A_171 = arith.constant 0 : i32
    %ne3A_172 = arith.cmpi ne, %rem3A_170, %ne3A_171 : i32
    %and3A_173 = arith.andi %ne3A_169, %ne3A_172 : i1
    %sub3A_174 = arith.constant 1 : i32
    %sub3A_175 = arith.subi %div3A_154, %sub3A_174 : i32
    %select_n3A_176 = arith.select %and3A_173, %sub3A_175, %div3A_154 : i32
    %add3A_177 = arith.constant 1 : i32
    %add3A_178 = arith.addi %select_n3A_176, %add3A_177 : i32
    %jit3A_179 = arith.constant false
    %jit3A_180 = arith.constant 0 : i32
    %select_n3A_181 = arith.select %jit3A_179, %jit3A_180, %add3A_178 : i32
    %jit3A_182 = arith.constant 32 : i32
    %eq3A_183 = arith.constant 0 : i32
    %eq3A_184 = arith.cmpi eq, %jit3A_182, %eq3A_183 : i32
    %jit3A_185 = arith.constant 1 : i32
    %select_n3A_186 = arith.select %eq3A_184, %jit3A_185, %jit3A_182 : i32
    %rem3A_187 = arith.remsi %add3A_152, %select_n3A_186 : i32
    %ne3A_188 = arith.constant 0 : i32
    %ne3A_189 = arith.cmpi ne, %rem3A_187, %ne3A_188 : i32
    %lt3A_190 = arith.constant 0 : i32
    %lt3A_191 = arith.cmpi slt, %rem3A_187, %lt3A_190 : i32
    %lt3A_192 = arith.constant 0 : i32
    %lt3A_193 = arith.cmpi slt, %select_n3A_186, %lt3A_192 : i32
    %ne3A_194 = arith.xori %lt3A_191, %lt3A_193 : i1
    %and3A_195 = arith.andi %ne3A_194, %ne3A_189 : i1
    %add3A_196 = arith.addi %rem3A_187, %select_n3A_186 : i32
    %select_n3A_197 = arith.select %and3A_195, %add3A_196, %rem3A_187 : i32
    %jit3A_198 = arith.constant false
    %select_n3A_199 = arith.select %jit3A_198, %add3A, %select_n3A_197 : i32
    %mul3A_200 = arith.constant 32 : i32
    %mul3A_201 = arith.muli %select_n3A_199, %mul3A_200 : i32
    %dma_start3A_202 = arith.constant 0 : i32
    %dma_start3A_203 = tpu.memref_slice %arg5[%select_n3A_181, %mul3A_201, %dma_start3A_202] : memref<51x1024x768xf32, #tpu.memory_space<hbm>> -> memref<1x32x768xf32, #tpu.memory_space<hbm>>
    %dma_start3A_204 = tpu.memref_squeeze %dma_start3A_203 : memref<1x32x768xf32, #tpu.memory_space<hbm>> -> memref<32x768xf32, #tpu.memory_space<hbm>>
    %dma_start3A_205 = arith.constant 0 : i32
    %dma_start3A_206 = tpu.memref_slice %arg5[%select_n3A_181, %mul3A_201, %dma_start3A_205] : memref<51x1024x768xf32, #tpu.memory_space<hbm>> -> memref<1x32x768xf32, #tpu.memory_space<hbm>>
    %dma_start3A_207 = tpu.memref_squeeze %dma_start3A_206 : memref<1x32x768xf32, #tpu.memory_space<hbm>> -> memref<32x768xf32, #tpu.memory_space<hbm>>
    tpu.enqueue_dma source(%arg9 : memref<32x768xf32, #tpu.memory_space<vmem>>) target(%dma_start3A_207 : memref<32x768xf32, #tpu.memory_space<hbm>>) target_semaphore(%arg15 : memref<!tpu.dma_semaphore, #tpu.memory_space<semaphore_mem>>)
    %dma_wait3A_208 = arith.constant 0 : i32
    %dma_wait3A_209 = arith.constant 0 : i32
    %dma_wait3A_210 = arith.constant 0 : i32
    %dma_wait3A_211 = tpu.memref_slice %arg5[%dma_wait3A_208, %dma_wait3A_209, %dma_wait3A_210] : memref<51x1024x768xf32, #tpu.memory_space<hbm>> -> memref<1x32x768xf32, #tpu.memory_space<hbm>>
    %dma_wait3A_212 = tpu.memref_squeeze %dma_wait3A_211 : memref<1x32x768xf32, #tpu.memory_space<hbm>> -> memref<32x768xf32, #tpu.memory_space<hbm>>
    %dma_wait3A_213 = arith.constant 0 : i32
    %dma_wait3A_214 = arith.constant 0 : i32
    %dma_wait3A_215 = tpu.memref_slice %arg5[%dma_wait3A_208, %dma_wait3A_213, %dma_wait3A_214] : memref<51x1024x768xf32, #tpu.memory_space<hbm>> -> memref<1x32x768xf32, #tpu.memory_space<hbm>>
    %dma_wait3A_216 = tpu.memref_squeeze %dma_wait3A_215 : memref<1x32x768xf32, #tpu.memory_space<hbm>> -> memref<32x768xf32, #tpu.memory_space<hbm>>
    tpu.wait_dma2 semaphore(%arg13 : memref<!tpu.dma_semaphore, #tpu.memory_space<semaphore_mem>>) src(%arg7 : memref<32x768xf32, #tpu.memory_space<vmem>>) dst(%dma_wait3A_216 : memref<32x768xf32, #tpu.memory_space<hbm>>)
    %dma_wait3A_217 = arith.constant 0 : i32
    %dma_wait3A_218 = arith.constant 0 : i32
    %dma_wait3A_219 = arith.constant 0 : i32
    %dma_wait3A_220 = tpu.memref_slice %arg5[%dma_wait3A_217, %dma_wait3A_218, %dma_wait3A_219] : memref<51x1024x768xf32, #tpu.memory_space<hbm>> -> memref<1x32x768xf32, #tpu.memory_space<hbm>>
    %dma_wait3A_221 = tpu.memref_squeeze %dma_wait3A_220 : memref<1x32x768xf32, #tpu.memory_space<hbm>> -> memref<32x768xf32, #tpu.memory_space<hbm>>
    %dma_wait3A_222 = arith.constant 0 : i32
    %dma_wait3A_223 = arith.constant 0 : i32
    %dma_wait3A_224 = tpu.memref_slice %arg5[%dma_wait3A_217, %dma_wait3A_222, %dma_wait3A_223] : memref<51x1024x768xf32, #tpu.memory_space<hbm>> -> memref<1x32x768xf32, #tpu.memory_space<hbm>>
    %dma_wait3A_225 = tpu.memref_squeeze %dma_wait3A_224 : memref<1x32x768xf32, #tpu.memory_space<hbm>> -> memref<32x768xf32, #tpu.memory_space<hbm>>
    tpu.wait_dma2 semaphore(%arg14 : memref<!tpu.dma_semaphore, #tpu.memory_space<semaphore_mem>>) src(%arg8 : memref<32x768xf32, #tpu.memory_space<vmem>>) dst(%dma_wait3A_225 : memref<32x768xf32, #tpu.memory_space<hbm>>)
    %dma_wait3A_226 = arith.constant 0 : i32
    %dma_wait3A_227 = arith.constant 0 : i32
    %dma_wait3A_228 = arith.constant 0 : i32
    %dma_wait3A_229 = tpu.memref_slice %arg5[%dma_wait3A_226, %dma_wait3A_227, %dma_wait3A_228] : memref<51x1024x768xf32, #tpu.memory_space<hbm>> -> memref<1x32x768xf32, #tpu.memory_space<hbm>>
    %dma_wait3A_230 = tpu.memref_squeeze %dma_wait3A_229 : memref<1x32x768xf32, #tpu.memory_space<hbm>> -> memref<32x768xf32, #tpu.memory_space<hbm>>
    %dma_wait3A_231 = arith.constant 0 : i32
    %dma_wait3A_232 = arith.constant 0 : i32
    %dma_wait3A_233 = tpu.memref_slice %arg5[%dma_wait3A_226, %dma_wait3A_231, %dma_wait3A_232] : memref<51x1024x768xf32, #tpu.memory_space<hbm>> -> memref<1x32x768xf32, #tpu.memory_space<hbm>>
    %dma_wait3A_234 = tpu.memref_squeeze %dma_wait3A_233 : memref<1x32x768xf32, #tpu.memory_space<hbm>> -> memref<32x768xf32, #tpu.memory_space<hbm>>
    tpu.wait_dma2 semaphore(%arg15 : memref<!tpu.dma_semaphore, #tpu.memory_space<semaphore_mem>>) src(%arg9 : memref<32x768xf32, #tpu.memory_space<vmem>>) dst(%dma_wait3A_234 : memref<32x768xf32, #tpu.memory_space<hbm>>)
    return
  }
}

module attributes {stable_mosaic.version = 14 : i64} {
  func.func @_tc_body(%arg0: i32, %arg1: memref<256x1xf32, #tpu.memory_space<vmem>>, %arg2: memref<256x768xf32, #tpu.memory_space<vmem>>, %arg3: memref<768x768xf32, #tpu.memory_space<vmem>>, %arg4: memref<256x768xf32, #tpu.memory_space<vmem>>, %arg5: memref<256x768xf32, #tpu.memory_space<vmem>>) attributes {dimension_semantics = [#tpu.dimension_semantics<arbitrary>], iteration_bounds = array<i64: 4>, scalar_prefetch = 0 : i64, scratch_operands = 0 : i64, tpu.core_type = #tpu.core_type<tc>, window_params = [{transform_indices = @transform_0, window_bounds = array<i64: 256, 1>}, {transform_indices = @transform_1, window_bounds = array<i64: 256, 768>}, {pipeline_mode = #tpu.pipeline_mode<synchronous>, transform_indices = @transform_2, window_bounds = array<i64: 768, 768>}, {transform_indices = @transform_3, window_bounds = array<i64: 256, 768>}, {transform_indices = @transform_4, window_bounds = array<i64: 256, 768>}]} {
    %get3A = arith.constant 0 : index
    %get3A_0 = arith.constant 0 : index
    %get3A_1 = vector.load %arg1[%get3A, %get3A_0] : memref<256x1xf32, #tpu.memory_space<vmem>>, vector<256x1xf32>
    %iota3A = tpu.iota {dimensions = array<i32: 1>} : vector<1x384xi32>
    %convert_element_type3A = arith.sitofp %iota3A : vector<1x384xi32> to vector<1x384xf32>
    %log3A = arith.constant 1.000000e+02 : f32
    %log3A_2 = math.log %log3A : f32
    %mul3A = arith.constant -2.000000e+00 : f32
    %mul3A_3 = arith.mulf %mul3A, %log3A_2 : f32
    %div3A = arith.constant 7.680000e+02 : f32
    %div3A_4 = arith.divf %mul3A_3, %div3A : f32
    %mul3A_5 = vector.broadcast %div3A_4 : f32 to vector<1x384xf32>
    %mul3A_6 = arith.mulf %convert_element_type3A, %mul3A_5 : vector<1x384xf32>
    %exp3A = math.exp %mul3A_6 : vector<1x384xf32>
    %mul3A_7 = vector.broadcast %get3A_1 : vector<256x1xf32> to vector<256x384xf32>
    %mul3A_8 = vector.broadcast %exp3A : vector<1x384xf32> to vector<256x384xf32>
    %mul3A_9 = arith.mulf %mul3A_7, %mul3A_8 : vector<256x384xf32>
    %sin3A = math.sin %mul3A_9 : vector<256x384xf32>
    %swap3A = arith.constant 0 : index
    %swap3A_10 = arith.constant 0 : index
    %swap3A_11 = vector.load %arg4[%swap3A, %swap3A_10] : memref<256x768xf32, #tpu.memory_space<vmem>>, vector<256x384xf32>
    tpu.vector_store %arg4[%swap3A, %swap3A_10], %sin3A {strides = array<i32>} : memref<256x768xf32, #tpu.memory_space<vmem>>, vector<256x384xf32>,
    %cos3A = math.cos %mul3A_9 : vector<256x384xf32>
    %swap3A_12 = arith.constant 0 : index
    %swap3A_13 = arith.constant 384 : index
    %swap3A_14 = vector.load %arg4[%swap3A_12, %swap3A_13] : memref<256x768xf32, #tpu.memory_space<vmem>>, vector<256x384xf32>
    tpu.vector_store %arg4[%swap3A_12, %swap3A_13], %cos3A {strides = array<i32>} : memref<256x768xf32, #tpu.memory_space<vmem>>, vector<256x384xf32>,
    %get3A_15 = arith.constant 0 : index
    %get3A_16 = arith.constant 0 : index
    %get3A_17 = vector.load %arg2[%get3A_15, %get3A_16] : memref<256x768xf32, #tpu.memory_space<vmem>>, vector<256x768xf32>
    %get3A_18 = arith.constant 0 : index
    %get3A_19 = arith.constant 0 : index
    %get3A_20 = vector.load %arg3[%get3A_18, %get3A_19] : memref<768x768xf32, #tpu.memory_space<vmem>>, vector<768x768xf32>
    %dot_general3A = arith.constant dense<0.000000e+00> : vector<256x768xf32>
    %dot_general3A_21 = tpu.matmul %get3A_17, %get3A_20, %dot_general3A {dimension_numbers = #tpu.dot_dimension_numbers<[1], [1], [0], [0], [0, 0, 1, 0], [], []>, transpose_lhs_hint = false} : vector<256x768xf32>, vector<768x768xf32>, vector<256x768xf32> -> vector<256x768xf32>
    %swap3A_22 = arith.constant 0 : index
    %swap3A_23 = arith.constant 0 : index
    %swap3A_24 = vector.load %arg5[%swap3A_22, %swap3A_23] : memref<256x768xf32, #tpu.memory_space<vmem>>, vector<256x768xf32>
    tpu.vector_store %arg5[%swap3A_22, %swap3A_23], %dot_general3A_21 {strides = array<i32>} : memref<256x768xf32, #tpu.memory_space<vmem>>, vector<256x768xf32>,
    return
  }
  func.func @transform_0(%arg0: i32) -> (i32, i32) {
    %c0_i32 = arith.constant 0 : i32
    %c0_i32_0 = arith.constant 0 : i32
    return %arg0, %c0_i32 : i32, i32
  }
  func.func @transform_1(%arg0: i32) -> (i32, i32) {
    %c0_i32 = arith.constant 0 : i32
    %c0_i32_0 = arith.constant 0 : i32
    return %arg0, %c0_i32 : i32, i32
  }
  func.func @transform_2(%arg0: i32) -> (i32, i32) {
    %c0_i32 = arith.constant 0 : i32
    %c0_i32_0 = arith.constant 0 : i32
    %c0_i32_1 = arith.constant 0 : i32
    return %c0_i32, %c0_i32_0 : i32, i32
  }
  func.func @transform_3(%arg0: i32) -> (i32, i32) {
    %c0_i32 = arith.constant 0 : i32
    %c0_i32_0 = arith.constant 0 : i32
    return %arg0, %c0_i32 : i32, i32
  }
  func.func @transform_4(%arg0: i32) -> (i32, i32) {
    %c0_i32 = arith.constant 0 : i32
    %c0_i32_0 = arith.constant 0 : i32
    return %arg0, %c0_i32 : i32, i32
  }
}

</mosaic_0001>

<sc_bundles>
// kernel: kernel.4.cloned.1.call-start
scs
__scs_entry_jumppad:
0x0: {  	(pc) =	sbr.rel $0x88, $3  }
0x1: {  	(tag) =	ssettag $0x0;
	lr =	simm.s32 $0x1  }
0x2: {  	[smem:$0x3F9C] =	sst lr;
	_ =	strace $0xD0000000  }
0x3: {  	_ = 	snop  }
0x4: {  	_ = 	snop  }
0x5: {  	_ = 	snop  }
0x6: {  	_ = 	snop  }
0x7: {  	_ = 	snop  }
__scs_overlays_trampoline_lowered:
0x8: {  	[smem:$0x3FAB] =	sst s0  }
0x9: {  	[smem:$0x3FAC] =	sst s1  }
0xa: {  	[smem:$0x3FAD] =	sst s2  }
0xb: {  	[smem:$0x3FAE] =	sst s3  }
0xc: {  	[smem:$0x3FAF] =	sst s4  }
0xd: {  	[smem:$0x3FB0] =	sst s5  }
0xe: {  	[smem:$0x3FB1] =	sst s6  }
0xf: {  	[smem:$0x3FB2] =	sst s7  }
0x10: {  	[smem:$0x3FB3] =	sst s8  }
0x11: {  	[smem:$0x3FB4] =	sst s9;
	s0 =	simm.s32 @!p0 $0x0  }
0x12: {  	s1 =	sld [smem:$0x3F9A];
	s0 =	simm.s32 @p0 $0x1  }
0x13: {  	[smem:$0x3FB5] =	sst s0;
	s0 =	simm.s32 @!p1 $0x0  }
0x14: {  	s2 =	sld [smem:$0x3F99];
	s0 =	simm.s32 @p1 $0x1  }
0x15: {  	[smem:$0x3FB6] =	sst s0;
	s0 =	simm.s32 @!p2 $0x0  }
0x16: {  	s3 =	sld [smem:$0x3FDB];
	s0 =	simm.s32 @p2 $0x1  }
0x17: {  	s4 =	simm.s32 $0x1BF5;
	[smem:$0x3FB8] =	sst s0  }
0x18: {  	s0 =	sld [smem:$0x3F9B];
	_ =	swait.ge [sflag:s4], $0x0  }
0x19: {  	s7 =	sld [smem:$0x3F9C]  }
0x1a: {  	s8 =	sadd.s32 $0xFFFFE003, lr  }
0x1b: {  	s9 =	sadd.s32 $0xFFFFFEF7, lr;
	s5 =	simm.s32 $0xFFFFFFFF;
	p2 =	slt.u32 s8, $0xFFFFF086  }
0x1c: {  	p1 =	slt.u32 s9, $0xF7A;
	s5 =	simm.s32 @!p2 $0x0  }
0x1d: {  	s5 =	simm.s32 @p1 $0x1;
	p0 =	seq.s32 s7, s2  }
0x1e: {  	s7 =	smul.u32 @!p0 $0xF7A, s2;
	p2 =	seq.s32 @!p0 s5, $0x0  }
0x1f: {  	s9 =	smul.u32 $0xF7A, s1;
	s8 =	simm.s32 @!p0 $0x1BF5;
	p2 =	por !p2, p0  }
0x20: {  	[sflag:s8] =	ssyncset.s32 @!p0 $0xFFFFF086;
	s6 =	sadd.s32 @!p0 s3, s7;
	s7 =	simm.s32 @!p0 $0x108  }
0x21: {  	s3 =	sadd.s32 s3, s9;
	s6 =	sadd.s32 @!p0 $0x88, s6;
	s7 =	simm.s32 @p2 $0x1082  }
0x22: {  	[simem:s7], [sflag:s8] =	dma.local @!p0 [hbm:s6], $0xF7A  }
0x23: {  	s9 =	sor.u32 $0xD0000000, s2;
	s6 =	simm.s32 $0x108;
	_ =	swait.ge @!p0 [sflag:s8], $0x0  }
0x24: {  	s3 =	sadd.s32 $0x88, s3;
	s6 =	simm.s32 @!p1 $0x1082;
	[sflag:s4] =	ssyncset.s32 $0xFFFFF086  }
0x25: {  	[simem:s6], [sflag:s4] =	dma.local [hbm:s3], $0xF7A  }
0x26: {  	[smem:$0x3F9C] =	sst s1;
	(tag) =	ssettag s2;
	_ =	strace s9  }
0x27: {  	s1 =	sld [smem:$0x3FAC]  }
0x28: {  	s2 =	sld [smem:$0x3FAD]  }
0x29: {  	s4 =	sld [smem:$0x3FAF]  }
0x2a: {  	p0 =	seq.s32 s5, $0x0;
	s5 =	sld [smem:$0x3FB0]  }
0x2b: {  	s6 =	sld [smem:$0x3FB1]  }
0x2c: {  	s7 =	sld [smem:$0x3FB2]  }
0x2d: {  	s3 =	simm.s32 $0x108;
	s8 =	sld [smem:$0x3FB3]  }
0x2e: {  	s3 =	simm.s32 @!p0 $0x1082;
	s9 =	sld [smem:$0x3FB4]  }
0x2f: {  	lr =	sadd.s32 s0, s3;
	s0 =	sld [smem:$0x3FAB]  }
0x30: {  	s3 =	sld [smem:$0x3FAE]  }
0x31: {  	[smem:$0x3FB7] =	sst s10  }
0x32: {  	s10 =	sld [smem:$0x3FB5];
	_ =	sdelay $0x3  }
0x33: {  	p0 =	seq.s32 s10, $0x1;
	s10 =	sld [smem:$0x3FB7];
	_ =	sdelay $0x3  }
0x34: {  	[smem:$0x3FB7] =	sst s10  }
0x35: {  	s10 =	sld [smem:$0x3FB6];
	_ =	sdelay $0x3  }
0x36: {  	p1 =	seq.s32 s10, $0x1;
	s10 =	sld [smem:$0x3FB7];
	_ =	sdelay $0x3  }
0x37: {  	[smem:$0x3FB7] =	sst s10  }
0x38: {  	s10 =	sld [smem:$0x3FB8]  }
0x39: {  	_ = 	snop;
	(pc) =	sbr.ind lr, $3  }
0x3a: {  	_ = 	snop  }
0x3b: {  	_ = 	snop  }
0x3c: {  	p2 =	seq.s32 s10, $0x1;
	s10 =	sld [smem:$0x3FB7]  }
0x3d: {  	_ =	shalt  }
0x3e: {  	_ =	shalt  }
0x3f: {  	_ =	shalt  }
0x40: {  	_ =	shalt  }
0x41: {  	_ =	shalt  }
0x42: {  	_ =	shalt  }
0x43: {  	_ =	shalt  }
0x44: {  	_ =	shalt  }
0x45: {  	_ =	shalt  }
0x46: {  	_ =	shalt  }
0x47: {  	_ =	shalt  }
0x48: {  	_ =	shalt  }
0x49: {  	_ =	shalt  }
0x4a: {  	_ =	shalt  }
0x4b: {  	_ =	shalt  }
0x4c: {  	_ =	shalt  }
0x4d: {  	_ =	shalt  }
0x4e: {  	_ =	shalt  }
0x4f: {  	_ =	shalt  }
0x50: {  	_ =	shalt  }
0x51: {  	_ =	shalt  }
0x52: {  	_ =	shalt  }
0x53: {  	_ =	shalt  }
0x54: {  	_ =	shalt  }
0x55: {  	_ =	shalt  }
0x56: {  	_ =	shalt  }
0x57: {  	_ =	shalt  }
0x58: {  	_ =	shalt  }
0x59: {  	_ =	shalt  }
0x5a: {  	_ =	shalt  }
0x5b: {  	_ =	shalt  }
0x5c: {  	_ =	shalt  }
0x5d: {  	_ =	shalt  }
0x5e: {  	_ =	shalt  }
0x5f: {  	_ =	shalt  }
0x60: {  	_ =	shalt  }
0x61: {  	_ =	shalt  }
0x62: {  	_ =	shalt  }
0x63: {  	_ =	shalt  }
0x64: {  	_ =	shalt  }
0x65: {  	_ =	shalt  }
0x66: {  	_ =	shalt  }
0x67: {  	_ =	shalt  }
0x68: {  	_ =	shalt  }
0x69: {  	_ =	shalt  }
0x6a: {  	_ =	shalt  }
0x6b: {  	_ =	shalt  }
0x6c: {  	_ =	shalt  }
0x6d: {  	_ =	shalt  }
0x6e: {  	_ =	shalt  }
0x6f: {  	_ =	shalt  }
0x70: {  	_ =	shalt  }
0x71: {  	_ =	shalt  }
0x72: {  	_ =	shalt  }
0x73: {  	_ =	shalt  }
0x74: {  	_ =	shalt  }
0x75: {  	_ =	shalt  }
0x76: {  	_ =	shalt  }
0x77: {  	_ =	shalt  }
0x78: {  	_ =	shalt  }
0x79: {  	_ =	shalt  }
0x7a: {  	_ =	shalt  }
0x7b: {  	_ =	shalt  }
0x7c: {  	_ =	shalt  }
0x7d: {  	_ =	shalt  }
0x7e: {  	_ =	shalt  }
0x7f: {  	_ =	shalt  }
0x80: {  	_ =	shalt  }
0x81: {  	_ =	shalt  }
0x82: {  	_ =	shalt  }
0x83: {  	_ =	shalt  }
0x84: {  	_ =	shalt  }
0x85: {  	_ =	shalt  }
0x86: {  	_ =	shalt  }
0x87: {  	_ =	shalt  }
.Lfunc_end0:
.L_simem_size_0:
called_computation_lowered:
.L_overlay_start_0:
0x88: {  	s2 =	sld [smem:$0x3FD9]  }
0x89: {  	s3 =	sld [smem:$0x3FFE];
	_ =	sdelay $0x1  }
0x8a: {  	s1 =	srdreg.scid  }
0x8b: {  	s0 =	sand.u32 $0x1, s1  }
0x8c: {  	s14 =	sshll.u32 s0, $0xA;
	s2 =	sadd.s32 s3, s2  }
0x8d: {  	s2 =	sadd.s32 s2, s14  }
0x8e: {  	[smem:$0x3FC3] =	sst s2  }
0x8f: {  	_ = 	snop  }
0x90: {  	s2 =	sld [smem:$0x3FD0];
	_ =	sdelay $0x2  }
0x91: {  	s4 =	simm.s32 $0xA;
	s5 =	simm.s32 $0x10;
	s15 =	sld [smem:$0x3FC6]  }
0x92: {  	[smem:s5], [sflag:s4] =	dma.local [hbm:s2], $0x1  }
0x93: {  	_ =	swait.eq [sflag:s4], $0x1  }
0x94: {  	[sflag:s4] =	ssyncset.done $0x0  }
0x95: {  	[sflag:s4] =	ssyncadd.s32 $0xFFFFFFFF  }
0x96: {  	s16 =	sld [smem:$0x10];
	(tm) =	ssettm $0x1  }
0x97: {  	s17 =	sld [smem:$0x3FFB];
	_ =	sdelay $0x3  }
0x98: {  	_ =	strace s17  }
0x99: {  	s4 =	sld [smem:$0x3FFC];
	_ =	sdelay $0x3  }
0x9a: {  	_ =	strace s4  }
0x9b: {  	s4 =	sld [smem:$0x3FFD];
	_ =	sdelay $0x3  }
0x9c: {  	_ =	strace s4  }
0x9d: {  	_ =	strace $0x8FFFFFFF  }
0x9e: {  	s18 =	sld [smem:$0x3FDB];
	_ =	sdelay $0x1  }
0x9f: {  	s19 =	simm.s32 $_scs_section_size  }
0xa0: {  	s6 =	simm.s32 $_size__tile_overlayer_lowered;
	s7 =	simm.s32 $_tile_overlayer_lowered  }
0xa1: {  	s22 =	simm.s32 $0x1BFF;
	s21 =	sshll.u32 s7, $0x1;
	s4 =	sadd.s32 s19, s18  }
0xa2: {  	s8 =	simm.s32 $0x0;
	s20 =	sshll.u32 s6, $0x1;
	s6 =	sadd.s32 s21, s4  }
0xa3: {  	[timem:s8], [sflag:s22] =	dma.local [hbm:s6], s20  }
0xa4: {  	_ =	swait.ge [sflag:s22], s20  }
0xa5: {  	s5 =	ssub.s32 $0x0, s20;
	[sflag:s22] =	ssyncset.done $0x0  }
0xa6: {  	[sflag:s22] =	ssyncadd.s32 s5;
	_ =	sdelay $0x1  }
0xa7: {  	s23 =	simm.s32 $0x1B8B  }
0xa8: {  	_ =	swait.ge [sflag:s23], $0x1  }
0xa9: {  	[sflag:s23] =	ssyncset.done $0x0  }
0xaa: {  	s25 =	simm.s32 $0x1B8E;
	s24 =	sld [smem:$0x3FFE];
	[sflag:s23] =	ssyncadd.s32 $0xFFFFFFFF  }
0xab: {  	s26 =	simm.s32 $execute0_lowered;
	[smem:$0x3FD2] =	sst s25  }
0xac: {  	s6 =	sshll.u32 s26, $0x1;
	_ =	strace $0x80000046;
	[dreg:$0x1] =	wrdreg $0xFFFFFFFF  }
0xad: {  	s28 =	simm.s32 $_size_execute0_lowered;
	s4 =	sadd.s32 s4, s6;
	[dreg:$0x0] =	wrdreg $0x0  }
0xae: {  	s6 =	sshll.u32 s28, $0x1;
	[dreg:$0x2] =	wrdreg s4  }
0xaf: {  	[dreg:$0x3] =	wrdreg s6  }
0xb0: {  	[dreg:$0x4] =	wrdreg $0xC0  }
0xb1: {  	_ =	task [dreg:s8], $0x5FFFF  }
0xb2: {  	[dreg:$0x1] =	wrdreg $0xFFFFFFFF  }
0xb3: {  	[dreg:$0x0] =	wrdreg $0x60  }
0xb4: {  	[dreg:$0x2] =	wrdreg s24  }
0xb5: {  	[dreg:$0x3] =	wrdreg s15  }
0xb6: {  	[dreg:$0x4] =	wrdreg s16  }
0xb7: {  	[dreg:$0x5] =	wrdreg $0x9  }
0xb8: {  	_ =	task.clear_ibuf [dreg:s8], $0x6FFFF;
	_ =	strace $0x90000046  }
0xb9: {  	s29 =	simm.s32 $0x9;
	_ =	strace $0x80000048  }
0xba: {  	_ =	swait.ge [sflag:s29], $0x1  }
0xbb: {  	[sflag:s29] =	ssyncadd.s32 $0xFFFFFFFF  }
0xbc: {  	_ =	strace $0x90000048  }
0xbd: {  	_ =	sfence  }
0xbe: {  	s30 =	sld [smem:$0x0];
	_ =	sdelay $0x2  }
0xbf: {  	s31 =	sshll.u32 s1, $0xD;
	s1 =	sshrl.u32 s1, $0x2  }
0xc0: {  	s3 =	sand.u32 $0x4000, s31;
	s1 =	sadd.s32 s1, s30  }
0xc1: {  	s0 =	sor.u32 s3, s0;
	s1 =	sshll.u32 s1, $0x11  }
0xc2: {  	s0 =	sor.u32 s1, s0  }
0xc3: {  	s0 =	sadd.s32 $0x8F2B, s0  }
0xc4: {  	[sflag:s0] =	ssyncadd.remote.s32 $0x1  }
0xc5: {  	_ =	sfence.sel $0xFFFF  }
0xc6: {  	[dreg:$0x0] =	wrdreg $0xFFFFFFFF;
	(pc) =	sbr.abs _section_cstart, $3  }
0xc7: {  	[dreg:$0x1] =	wrdreg $0xFFFFFFFF  }
0xc8: {  	_ =	task.clear_ibuf [dreg:s8], $0x2FFFF;
	_ =	strace $0x9FFFFFFF  }
0xc9: {  	(tm) =	ssettm $0x7FFFFFFF  }
tec
execute0_lowered:
.L_overlay_start_1:
0x0: {  	(tag) =	ssettag $0x1  }
0x1: {  	s0 =	srdreg.scid  }
0x2: {  	s16 =	stileid.u32;
	s1 =	rddreg [dreg:$0x0]  }
0x3: {  	s2 =	rddreg [dreg:$0x1];
	s0 =	sand.u32 $0x1, s0;
	s3 =	sshll.u32 s16, $0x1  }
0x4: {  	s4 =	simm.s32 $0x0;
	s28 =	simm.s32 $0xB680;
	s5 =	sor.u32 s0, s3  }
0x5: {  	s29 =	simm.s32 $0xBE80;
	s30 =	simm.s32 $0xE680;
	s6 =	smul.u32 $0xC8, s5  }
0x6: {  	s31 =	simm.s32 $0xEE80;
	[smem:$0x7FF] =	sst s4;
	s9 =	smul.u32 $0xC00, s5  }
0x7: {  	s3 =	rddreg [dreg:$0x2];
	s8 =	ssub.s32 $0x2, s0;
	s10 =	smul.u32 $0x32, s5  }
0x8: {  	_ =	strace $0x80000047;
	s12 =	sshrl.u32 s8, $0x1;
	s5 =	smul.u32 $0x48, s5  }
0x9: {  	s12 =	ssub.s32 s8, s12;
	s6 =	sadd.s32 s6, s1;
	s1 =	sadd.s32 s9, s1  }
0xa: {  	s7 =	sadd.s32 $0x2F, s10;
	s24 =	sadd.s32 $0x30, s10;
	s17 =	sadd.s32 $0x31, s10  }
0xb: {  	s15 =	sshll.u32 s10, $0x2;
	s10 =	sshrl.u32 s10, $0x5;
	s5 =	sand.u32 $0x78, s5  }
0xc: {  	s22 =	smax.u32 s12, $0x1;
	s9 =	sadd.s32 s3, s9;
	s12 =	simm.s32 $0x6E80  }
0xd: {  	s11 =	sshrl.u32 s7, $0x5;
	s7 =	sshll.u32 s7, $0x2;
	s10 =	smul.u32 $0xC0000, s10  }
0xe: {  	s6 =	sadd.s32 $0xC00, s6;
	s1 =	sadd.s32 $0x2600, s1;
	s5 =	smul.u32 $0x1800, s5  }
0xf: {  	s25 =	sshrl.u32 s24, $0x5;
	s13 =	sshrl.u32 s17, $0x5;
	s11 =	smul.u32 $0xC0000, s11  }
0x10: {  	s8 =	sshll.u32 s17, $0x2;
	[dreg:$0xa] =	wrdreg s22;
	s26 =	smul.u32 $0xC0000, s25  }
0x11: {  	s19 =	sor.u32 $0x4, s15;
	[dreg:$0xb] =	wrdreg s9;
	s13 =	smul.u32 $0xC0000, s13  }
0x12: {  	[dreg:$0x6] =	wrdreg s1;
	s1 =	sshll.u32 s24, $0x2;
	s24 =	smul.u32 $0x64, s16  }
0x13: {  	s15 =	simm.s32 $0x9E80;
	s17 =	simm.s32 $0x1;
	s25 =	smul.u32 $0x32, s0  }
0x14: {  	s22 =	simm.s32 $0x4;
	s7 =	sand.u32 $0x7C, s7;
	s0 =	smul.u32 $0xC8, s0  }
0x15: {  	[dreg:$0x5] =	wrdreg s6;
	s14 =	sand.u32 $0x7C, s8;
	s23 =	smul.u32 $0x1800, s7  }
0x16: {  	s8 =	sadd.s32 $0x200, s2;
	s1 =	sand.u32 $0x78, s1;
	s14 =	smul.u32 $0x1800, s14  }
0x17: {  	s7 =	sadd.s32 $0x100, s2;
	s1 =	smul.u32 $0x1800, s1;
	s9 =	sadd.s32 s25, s24  }
0x18: {  	s24 =	simm.s32 $0x8E80;
	s25 =	simm.s32 $0xA680;
	s6 =	sadd.s32 s23, s11  }
0x19: {  	s18 =	sadd.s32 s14, s13;
	s11 =	sand.u32 $0x7C, s19;
	s23 =	sadd.s32 $0xC0000, s10  }
0x1a: {  	[dreg:$0x4] =	wrdreg s9;
	s13 =	simm.s32 $0x7680;
	s14 =	simm.s32 $0x9680  }
0x1b: {  	s9 =	simm.s32 $0x6;
	s6 =	sshrl.u32 s6, $0x3;
	s21 =	smul.u32 $0x1800, s11  }
0x1c: {  	s1 =	sadd.s32 s1, s26;
	s5 =	sadd.s32 s5, s23;
	s26 =	smul.u32 $0x190, s16  }
0x1d: {  	s11 =	simm.s32 $0x8680;
	s16 =	simm.s32 $0xAE80;
	s6 =	sadd.s32 s3, s6  }
0x1e: {  	s1 =	sshrl.u32 s1, $0x3;
	s5 =	sshrl.u32 s5, $0x3;
	s6 =	sadd.s32 $0x18000, s6  }
0x1f: {  	s1 =	sadd.s32 s3, s1;
	s5 =	sadd.s32 s3, s5;
	[dreg:$0x7] =	wrdreg s6  }
0x20: {  	s0 =	sadd.s32 s0, s26;
	s26 =	simm.s32 $0x7E80;
	[dreg:$0xc] =	wrdreg s5  }
0x21: {  	s6 =	sshrl.u32 s18, $0x3;
	s1 =	sadd.s32 $0x18000, s1;
	[dreg:$0xe] =	wrdreg s0  }
0x22: {  	s0 =	simm.s32 $0xCE80;
	s5 =	simm.s32 $0xD680;
	s6 =	sadd.s32 s3, s6  }
0x23: {  	[dreg:$0x8] =	wrdreg s1;
	s1 =	sadd.s32 s21, s23;
	s21 =	simm.s32 $0x3  }
0x24: {  	v2 =	vlaneseq.u32;
	s23 =	simm.s32 $0x5;
	s20 =	sadd.s32 $0x18000, s6;
	s1 =	sshrl.u32 s1, $0x3  }
0x25: {  	vm0 =	vmmov $0xffff;
	v1 =	vshrl.u32 v2, $0x3;
	s6 =	simm.s32 $0xDE80;
	[dreg:$0x9] =	wrdreg s20;
	s1 =	sadd.s32 s3, s1  }
0x26: {  	v0 =	vand.u32 $0x7, v2;
	v2 =	vor.u32 $0x8, v2;
	v1 =	vmul.u32 $0x8, v1;
	s20 =	simm.s32 $0x2;
	[dreg:$0xd] =	wrdreg s1;
	s1 =	simm.s32 $0x0  }
.LBB2_1:
0x27: {  	[dreg:$0xf] =	wrdreg s1  }
0x28: {  	s10 =	rddreg [dreg:$0x5];
	s19 =	simm.s32 $0x7  }
0x29: {  	[tilespmem:s4], [sflag:$0x7] =	stream.linear.gather [hbm4b:s10+s4], $0x640, $0x38;
	[tilespmem:$0x12680] =	vst v63  }
0x2a: {  	_ =	swait.ge [sflag:s19], $0x640  }
0x2b: {  	[sflag:s19] =	ssyncset.done $0x0  }
0x2c: {  	s18 =	simm.s32 $0x680;
	s1 =	rddreg [dreg:$0x6];
	[sflag:s19] =	ssyncadd.s32 $0xFFFFF9C0  }
0x2d: {  	[tilespmem:s18], [sflag:$0x1] =	stream.linear.gather [hbm4b:s1+s4], $0x6000, $0x38;
	[tilespmem:$0x12680] =	vst v63  }
0x2e: {  	v3 =	vld [tilespmem:$0x0];
	_ =	sdelay $0x4  }
0x2f: {  	v4 =	vshrl.u32 v3, $0x3  }
0x30: {  	v4 =	vmul.u32 $0x30, v4  }
0x31: {  	v3 =	vand.u32 $0x7, v3  }
0x32: {  	v3 =	vor.u32 v3, v4  }
0x33: {  	v4 =	vperm.xlane v3, v0;
	_ =	sdelay $0x1  }
0x34: {  	v4 =	vadd.s32 v1, v4;
	_ =	sdelay $0x3  }
0x35: {  	s1 =	simm.s32 $0x6680;
	v3 =	vperm.xlane v3, v2  }
0x36: {  	[tilespmem:s1], [sflag:$0x2] =	stream.indirect_vreg.gather [hbm4b:s2+s4], $0x80, v4, vm0, $0xb8;
	[tilespmem:$0x12680] =	vst v63  }
0x37: {  	v3 =	vadd.s32 v1, v3  }
0x38: {  	[tilespmem:s12], [sflag:$0x2] =	stream.indirect_vreg.gather [hbm4b:s7+s4], $0x80, v4, vm0, $0xb8;
	[tilespmem:$0x12680] =	vst v63  }
0x39: {  	_ = 	snop  }
0x3a: {  	[tilespmem:s13], [sflag:$0x2] =	stream.indirect_vreg.gather [hbm4b:s8+s4], $0x80, v4, vm0, $0xb8;
	[tilespmem:$0x12680] =	vst v63  }
0x3b: {  	_ = 	snop  }
0x3c: {  	[tilespmem:s26], [sflag:$0x2] =	stream.indirect_vreg.gather [hbm4b:s2+s4], $0x80, v3, vm0, $0xb8;
	[tilespmem:$0x12680] =	vst v63  }
0x3d: {  	_ = 	snop  }
0x3e: {  	[tilespmem:s11], [sflag:$0x2] =	stream.indirect_vreg.gather [hbm4b:s7+s4], $0x80, v3, vm0, $0xb8;
	[tilespmem:$0x12680] =	vst v63  }
0x3f: {  	_ = 	snop  }
0x40: {  	[tilespmem:s24], [sflag:$0x2] =	stream.indirect_vreg.gather [hbm4b:s8+s4], $0x80, v3, vm0, $0xb8;
	[tilespmem:$0x12680] =	vst v63  }
0x41: {  	v3 =	vld [tilespmem:$0x10];
	_ =	sdelay $0x4  }
0x42: {  	v55 =	vshrl.u32 v3, $0x3  }
0x43: {  	v4 =	vmul.u32 $0x30, v55  }
0x44: {  	v3 =	vand.u32 $0x7, v3  }
0x45: {  	v3 =	vor.u32 v3, v4  }
0x46: {  	v4 =	vperm.xlane v3, v0;
	_ =	sdelay $0x1  }
0x47: {  	v4 =	vadd.s32 v1, v4;
	_ =	sdelay $0x3  }
0x48: {  	v3 =	vperm.xlane v3, v2  }
0x49: {  	[tilespmem:s14], [sflag:$0x2] =	stream.indirect_vreg.gather [hbm4b:s2+s4], $0x80, v4, vm0, $0xb8;
	[tilespmem:$0x12680] =	vst v63  }
0x4a: {  	v3 =	vadd.s32 v1, v3  }
0x4b: {  	[tilespmem:s15], [sflag:$0x2] =	stream.indirect_vreg.gather [hbm4b:s7+s4], $0x80, v4, vm0, $0xb8;
	[tilespmem:$0x12680] =	vst v63  }
0x4c: {  	_ = 	snop  }
0x4d: {  	[tilespmem:s25], [sflag:$0x2] =	stream.indirect_vreg.gather [hbm4b:s8+s4], $0x80, v4, vm0, $0xb8;
	[tilespmem:$0x12680] =	vst v63  }
0x4e: {  	_ = 	snop  }
0x4f: {  	[tilespmem:s16], [sflag:$0x2] =	stream.indirect_vreg.gather [hbm4b:s2+s4], $0x80, v3, vm0, $0xb8;
	[tilespmem:$0x12680] =	vst v63  }
0x50: {  	_ = 	snop  }
0x51: {  	[tilespmem:s28], [sflag:$0x2] =	stream.indirect_vreg.gather [hbm4b:s7+s4], $0x80, v3, vm0, $0xb8;
	[tilespmem:$0x12680] =	vst v63  }
0x52: {  	_ = 	snop  }
0x53: {  	[tilespmem:s29], [sflag:$0x2] =	stream.indirect_vreg.gather [hbm4b:s8+s4], $0x80, v3, vm0, $0xb8;
	[tilespmem:$0x12680] =	vst v63  }
0x54: {  	v3 =	vld [tilespmem:$0x20];
	_ =	sdelay $0x4  }
0x55: {  	v56 =	vshrl.u32 v3, $0x3  }
0x56: {  	v4 =	vmul.u32 $0x30, v56  }
0x57: {  	v3 =	vand.u32 $0x7, v3  }
0x58: {  	v3 =	vor.u32 v3, v4  }
0x59: {  	v4 =	vperm.xlane v3, v0;
	_ =	sdelay $0x1  }
0x5a: {  	v4 =	vadd.s32 v1, v4;
	_ =	sdelay $0x3  }
0x5b: {  	s19 =	simm.s32 $0xC680;
	v3 =	vperm.xlane v3, v2  }
0x5c: {  	[tilespmem:s19], [sflag:$0x3] =	stream.indirect_vreg.gather [hbm4b:s2+s4], $0x80, v4, vm0, $0xb8;
	[tilespmem:$0x12680] =	vst v63  }
0x5d: {  	v3 =	vadd.s32 v1, v3  }
0x5e: {  	[tilespmem:s0], [sflag:$0x3] =	stream.indirect_vreg.gather [hbm4b:s7+s4], $0x80, v4, vm0, $0xb8;
	[tilespmem:$0x12680] =	vst v63  }
0x5f: {  	_ = 	snop  }
0x60: {  	[tilespmem:s5], [sflag:$0x3] =	stream.indirect_vreg.gather [hbm4b:s8+s4], $0x80, v4, vm0, $0xb8;
	[tilespmem:$0x12680] =	vst v63  }
0x61: {  	_ = 	snop  }
0x62: {  	[tilespmem:s6], [sflag:$0x3] =	stream.indirect_vreg.gather [hbm4b:s2+s4], $0x80, v3, vm0, $0xb8;
	[tilespmem:$0x12680] =	vst v63  }
0x63: {  	_ = 	snop  }
0x64: {  	[tilespmem:s30], [sflag:$0x3] =	stream.indirect_vreg.gather [hbm4b:s7+s4], $0x80, v3, vm0, $0xb8;
	[tilespmem:$0x12680] =	vst v63  }
0x65: {  	_ = 	snop  }
0x66: {  	[tilespmem:s31], [sflag:$0x3] =	stream.indirect_vreg.gather [hbm4b:s8+s4], $0x80, v3, vm0, $0xb8;
	[tilespmem:$0x12680] =	vst v63  }
0x67: {  	v3 =	vld [tilespmem:$0x30];
	_ =	sdelay $0x4  }
0x68: {  	v57 =	vshrl.u32 v3, $0x3  }
0x69: {  	v4 =	vmul.u32 $0x30, v57  }
0x6a: {  	v3 =	vand.u32 $0x7, v3  }
0x6b: {  	v3 =	vor.u32 v3, v4  }
0x6c: {  	v4 =	vperm.xlane v3, v0;
	_ =	sdelay $0x1  }
0x6d: {  	v4 =	vadd.s32 v1, v4;
	_ =	sdelay $0x3  }
0x6e: {  	s10 =	simm.s32 $0xF680;
	v3 =	vperm.xlane v3, v2  }
0x6f: {  	[tilespmem:s10], [sflag:$0x3] =	stream.indirect_vreg.gather [hbm4b:s2+s4], $0x80, v4, vm0, $0xb8;
	[tilespmem:$0x12680] =	vst v63  }
0x70: {  	v3 =	vadd.s32 v1, v3;
	s10 =	simm.s32 $0xFE80  }
0x71: {  	[tilespmem:s10], [sflag:$0x3] =	stream.indirect_vreg.gather [hbm4b:s7+s4], $0x80, v4, vm0, $0xb8;
	[tilespmem:$0x12680] =	vst v63  }
0x72: {  	s10 =	simm.s32 $0x10680  }
0x73: {  	[tilespmem:s10], [sflag:$0x3] =	stream.indirect_vreg.gather [hbm4b:s8+s4], $0x80, v4, vm0, $0xb8;
	[tilespmem:$0x12680] =	vst v63  }
0x74: {  	s10 =	simm.s32 $0x10E80  }
0x75: {  	[tilespmem:s10], [sflag:$0x3] =	stream.indirect_vreg.gather [hbm4b:s2+s4], $0x80, v3, vm0, $0xb8;
	[tilespmem:$0x12680] =	vst v63  }
0x76: {  	s10 =	simm.s32 $0x11680  }
0x77: {  	[tilespmem:s10], [sflag:$0x3] =	stream.indirect_vreg.gather [hbm4b:s7+s4], $0x80, v3, vm0, $0xb8;
	[tilespmem:$0x12680] =	vst v63  }
0x78: {  	s10 =	simm.s32 $0x11E80  }
0x79: {  	[tilespmem:s10], [sflag:$0x3] =	stream.indirect_vreg.gather [hbm4b:s8+s4], $0x80, v3, vm0, $0xb8;
	[tilespmem:$0x12680] =	vst v63  }
0x7a: {  	_ =	swait.ge [sflag:s17], $0x6000  }
0x7b: {  	[sflag:s17] =	ssyncset.done $0x0  }
0x7c: {  	s10 =	rddreg [dreg:$0xb];
	[sflag:s17] =	ssyncadd.s32 $0xFFFFA000  }
0x7d: {  	[hbm4b:s10+s4] =	stream.linear.scatter [tilespmem:s18], [sflag:$0x4], $0x6000, $0x38;
	[tilespmem:$0x12680] =	vst v63  }
0x7e: {  	_ =	swait.ge [sflag:s20], $0x6000  }
0x7f: {  	[sflag:s20] =	ssyncset.done $0x0  }
0x80: {  	s10 =	rddreg [dreg:$0xc];
	[sflag:s20] =	ssyncadd.s32 $0xFFFFA000  }
0x81: {  	[hbm4b:s10+s4] =	stream.linear.scatter [tilespmem:s1], [sflag:$0x5], $0x6000, $0x38;
	[tilespmem:$0x12680] =	vst v63  }
0x82: {  	_ =	swait.ge [sflag:s21], $0x6000  }
0x83: {  	[sflag:s21] =	ssyncset.done $0x0  }
0x84: {  	s10 =	rddreg [dreg:$0xd];
	[sflag:s21] =	ssyncadd.s32 $0xFFFFA000  }
0x85: {  	[hbm4b:s10+s4] =	stream.linear.scatter [tilespmem:s19], [sflag:$0x6], $0x6000, $0x38;
	[tilespmem:$0x12680] =	vst v63  }
0x86: {  	_ =	swait.ge [sflag:s22], $0x6000  }
0x87: {  	[sflag:s22] =	ssyncset.done $0x0  }
0x88: {  	[sflag:s22] =	ssyncadd.s32 $0xFFFFA000  }
0x89: {  	v3 =	vld [tilespmem:$0x40];
	_ =	sdelay $0x4  }
0x8a: {  	v58 =	vshrl.u32 v3, $0x3  }
0x8b: {  	v4 =	vmul.u32 $0x30, v58  }
0x8c: {  	v3 =	vand.u32 $0x7, v3  }
0x8d: {  	v3 =	vor.u32 v3, v4  }
0x8e: {  	v4 =	vperm.xlane v3, v0;
	_ =	sdelay $0x1  }
0x8f: {  	v4 =	vadd.s32 v1, v4;
	_ =	sdelay $0x3  }
0x90: {  	v3 =	vperm.xlane v3, v2  }
0x91: {  	[tilespmem:s18], [sflag:$0x1] =	stream.indirect_vreg.gather [hbm4b:s2+s4], $0x80, v4, vm0, $0xb8;
	[tilespmem:$0x12680] =	vst v63  }
0x92: {  	v3 =	vadd.s32 v1, v3;
	s18 =	simm.s32 $0xE80  }
0x93: {  	[tilespmem:s18], [sflag:$0x1] =	stream.indirect_vreg.gather [hbm4b:s7+s4], $0x80, v4, vm0, $0xb8;
	[tilespmem:$0x12680] =	vst v63  }
0x94: {  	s18 =	simm.s32 $0x1680  }
0x95: {  	[tilespmem:s18], [sflag:$0x1] =	stream.indirect_vreg.gather [hbm4b:s8+s4], $0x80, v4, vm0, $0xb8;
	[tilespmem:$0x12680] =	vst v63  }
0x96: {  	s18 =	simm.s32 $0x1E80  }
0x97: {  	[tilespmem:s18], [sflag:$0x1] =	stream.indirect_vreg.gather [hbm4b:s2+s4], $0x80, v3, vm0, $0xb8;
	[tilespmem:$0x12680] =	vst v63  }
0x98: {  	s18 =	simm.s32 $0x2680  }
0x99: {  	[tilespmem:s18], [sflag:$0x1] =	stream.indirect_vreg.gather [hbm4b:s7+s4], $0x80, v3, vm0, $0xb8;
	[tilespmem:$0x12680] =	vst v63  }
0x9a: {  	s18 =	simm.s32 $0x2E80  }
0x9b: {  	[tilespmem:s18], [sflag:$0x1] =	stream.indirect_vreg.gather [hbm4b:s8+s4], $0x80, v3, vm0, $0xb8;
	[tilespmem:$0x12680] =	vst v63  }
0x9c: {  	v3 =	vld [tilespmem:$0x50];
	_ =	sdelay $0x4  }
0x9d: {  	v59 =	vshrl.u32 v3, $0x3  }
0x9e: {  	v4 =	vmul.u32 $0x30, v59  }
0x9f: {  	v3 =	vand.u32 $0x7, v3  }
0xa0: {  	v3 =	vor.u32 v3, v4  }
0xa1: {  	v4 =	vperm.xlane v3, v0;
	_ =	sdelay $0x1  }
0xa2: {  	v4 =	vadd.s32 v1, v4;
	_ =	sdelay $0x3  }
0xa3: {  	s18 =	simm.s32 $0x3680;
	v3 =	vperm.xlane v3, v2  }
0xa4: {  	[tilespmem:s18], [sflag:$0x1] =	stream.indirect_vreg.gather [hbm4b:s2+s4], $0x80, v4, vm0, $0xb8;
	[tilespmem:$0x12680] =	vst v63  }
0xa5: {  	v3 =	vadd.s32 v1, v3;
	s18 =	simm.s32 $0x3E80  }
0xa6: {  	[tilespmem:s18], [sflag:$0x1] =	stream.indirect_vreg.gather [hbm4b:s7+s4], $0x80, v4, vm0, $0xb8;
	[tilespmem:$0x12680] =	vst v63  }
0xa7: {  	s18 =	simm.s32 $0x4680  }
0xa8: {  	[tilespmem:s18], [sflag:$0x1] =	stream.indirect_vreg.gather [hbm4b:s8+s4], $0x80, v4, vm0, $0xb8;
	[tilespmem:$0x12680] =	vst v63  }
0xa9: {  	s18 =	simm.s32 $0x4E80  }
0xaa: {  	[tilespmem:s18], [sflag:$0x1] =	stream.indirect_vreg.gather [hbm4b:s2+s4], $0x80, v3, vm0, $0xb8;
	[tilespmem:$0x12680] =	vst v63  }
0xab: {  	s18 =	simm.s32 $0x5680  }
0xac: {  	[tilespmem:s18], [sflag:$0x1] =	stream.indirect_vreg.gather [hbm4b:s7+s4], $0x80, v3, vm0, $0xb8;
	[tilespmem:$0x12680] =	vst v63  }
0xad: {  	s18 =	simm.s32 $0x5E80  }
0xae: {  	[tilespmem:s18], [sflag:$0x1] =	stream.indirect_vreg.gather [hbm4b:s8+s4], $0x80, v3, vm0, $0xb8;
	[tilespmem:$0x12680] =	vst v63  }
0xaf: {  	_ =	swait.ge [sflag:s23], $0x6000  }
0xb0: {  	[sflag:s23] =	ssyncset.done $0x0  }
0xb1: {  	[sflag:s23] =	ssyncadd.s32 $0xFFFFA000  }
0xb2: {  	v3 =	vld [tilespmem:$0x60];
	_ =	sdelay $0x4  }
0xb3: {  	v60 =	vshrl.u32 v3, $0x3  }
0xb4: {  	v4 =	vmul.u32 $0x30, v60  }
0xb5: {  	v3 =	vand.u32 $0x7, v3  }
0xb6: {  	v3 =	vor.u32 v3, v4  }
0xb7: {  	v4 =	vperm.xlane v3, v0;
	_ =	sdelay $0x1  }
0xb8: {  	v4 =	vadd.s32 v1, v4;
	_ =	sdelay $0x3  }
0xb9: {  	v3 =	vperm.xlane v3, v2  }
0xba: {  	[tilespmem:s1], [sflag:$0x2] =	stream.indirect_vreg.gather [hbm4b:s2+s4], $0x80, v4, vm0, $0xb8;
	[tilespmem:$0x12680] =	vst v63  }
0xbb: {  	v3 =	vadd.s32 v1, v3  }
0xbc: {  	[tilespmem:s12], [sflag:$0x2] =	stream.indirect_vreg.gather [hbm4b:s7+s4], $0x80, v4, vm0, $0xb8;
	[tilespmem:$0x12680] =	vst v63  }
0xbd: {  	_ = 	snop  }
0xbe: {  	[tilespmem:s13], [sflag:$0x2] =	stream.indirect_vreg.gather [hbm4b:s8+s4], $0x80, v4, vm0, $0xb8;
	[tilespmem:$0x12680] =	vst v63  }
0xbf: {  	_ = 	snop  }
0xc0: {  	[tilespmem:s26], [sflag:$0x2] =	stream.indirect_vreg.gather [hbm4b:s2+s4], $0x80, v3, vm0, $0xb8;
	[tilespmem:$0x12680] =	vst v63  }
0xc1: {  	_ = 	snop  }
0xc2: {  	[tilespmem:s11], [sflag:$0x2] =	stream.indirect_vreg.gather [hbm4b:s7+s4], $0x80, v3, vm0, $0xb8;
	[tilespmem:$0x12680] =	vst v63  }
0xc3: {  	_ = 	snop  }
0xc4: {  	[tilespmem:s24], [sflag:$0x2] =	stream.indirect_vreg.gather [hbm4b:s8+s4], $0x80, v3, vm0, $0xb8;
	[tilespmem:$0x12680] =	vst v63  }
0xc5: {  	v3 =	vld [tilespmem:$0x70];
	_ =	sdelay $0x4  }
0xc6: {  	v61 =	vshrl.u32 v3, $0x3  }
0xc7: {  	v4 =	vmul.u32 $0x30, v61  }
0xc8: {  	v3 =	vand.u32 $0x7, v3  }
0xc9: {  	v3 =	vor.u32 v3, v4  }
0xca: {  	v4 =	vperm.xlane v3, v0;
	_ =	sdelay $0x1  }
0xcb: {  	v4 =	vadd.s32 v1, v4;
	_ =	sdelay $0x3  }
0xcc: {  	v3 =	vperm.xlane v3, v2  }
0xcd: {  	[tilespmem:s14], [sflag:$0x2] =	stream.indirect_vreg.gather [hbm4b:s2+s4], $0x80, v4, vm0, $0xb8;
	[tilespmem:$0x12680] =	vst v63  }
0xce: {  	v3 =	vadd.s32 v1, v3  }
0xcf: {  	[tilespmem:s15], [sflag:$0x2] =	stream.indirect_vreg.gather [hbm4b:s7+s4], $0x80, v4, vm0, $0xb8;
	[tilespmem:$0x12680] =	vst v63  }
0xd0: {  	_ = 	snop  }
0xd1: {  	[tilespmem:s25], [sflag:$0x2] =	stream.indirect_vreg.gather [hbm4b:s8+s4], $0x80, v4, vm0, $0xb8;
	[tilespmem:$0x12680] =	vst v63  }
0xd2: {  	_ = 	snop  }
0xd3: {  	[tilespmem:s16], [sflag:$0x2] =	stream.indirect_vreg.gather [hbm4b:s2+s4], $0x80, v3, vm0, $0xb8;
	[tilespmem:$0x12680] =	vst v63  }
0xd4: {  	_ = 	snop  }
0xd5: {  	[tilespmem:s28], [sflag:$0x2] =	stream.indirect_vreg.gather [hbm4b:s7+s4], $0x80, v3, vm0, $0xb8;
	[tilespmem:$0x12680] =	vst v63  }
0xd6: {  	_ = 	snop  }
0xd7: {  	[tilespmem:s29], [sflag:$0x2] =	stream.indirect_vreg.gather [hbm4b:s8+s4], $0x80, v3, vm0, $0xb8;
	[tilespmem:$0x12680] =	vst v63  }
0xd8: {  	_ =	swait.ge [sflag:s9], $0x6000  }
0xd9: {  	[sflag:s9] =	ssyncset.done $0x0  }
0xda: {  	[sflag:s9] =	ssyncadd.s32 $0xFFFFA000  }
0xdb: {  	v3 =	vld [tilespmem:$0x80];
	_ =	sdelay $0x4  }
0xdc: {  	v62 =	vshrl.u32 v3, $0x3  }
0xdd: {  	v4 =	vmul.u32 $0x30, v62  }
0xde: {  	v3 =	vand.u32 $0x7, v3  }
0xdf: {  	v3 =	vor.u32 v3, v4  }
0xe0: {  	v4 =	vperm.xlane v3, v0;
	_ =	sdelay $0x1  }
0xe1: {  	v4 =	vadd.s32 v1, v4;
	_ =	sdelay $0x3  }
0xe2: {  	v3 =	vperm.xlane v3, v2  }
0xe3: {  	[tilespmem:s19], [sflag:$0x3] =	stream.indirect_vreg.gather [hbm4b:s2+s4], $0x80, v4, vm0, $0xb8;
	[tilespmem:$0x12680] =	vst v63  }
0xe4: {  	v3 =	vadd.s32 v1, v3  }
0xe5: {  	[tilespmem:s0], [sflag:$0x3] =	stream.indirect_vreg.gather [hbm4b:s7+s4], $0x80, v4, vm0, $0xb8;
	[tilespmem:$0x12680] =	vst v63  }
0xe6: {  	_ = 	snop  }
0xe7: {  	[tilespmem:s5], [sflag:$0x3] =	stream.indirect_vreg.gather [hbm4b:s8+s4], $0x80, v4, vm0, $0xb8;
	[tilespmem:$0x12680] =	vst v63  }
0xe8: {  	_ = 	snop  }
0xe9: {  	[tilespmem:s6], [sflag:$0x3] =	stream.indirect_vreg.gather [hbm4b:s2+s4], $0x80, v3, vm0, $0xb8;
	[tilespmem:$0x12680] =	vst v63  }
0xea: {  	_ = 	snop  }
0xeb: {  	[tilespmem:s30], [sflag:$0x3] =	stream.indirect_vreg.gather [hbm4b:s7+s4], $0x80, v3, vm0, $0xb8;
	[tilespmem:$0x12680] =	vst v63  }
0xec: {  	_ = 	snop  }
0xed: {  	[tilespmem:s31], [sflag:$0x3] =	stream.indirect_vreg.gather [hbm4b:s8+s4], $0x80, v3, vm0, $0xb8;
	[tilespmem:$0x12680] =	vst v63  }
0xee: {  	v3 =	vld [tilespmem:$0x90];
	_ =	sdelay $0x4  }
0xef: {  	v63 =	vshrl.u32 v3, $0x3  }
0xf0: {  	v4 =	vmul.u32 $0x30, v63  }
0xf1: {  	v3 =	vand.u32 $0x7, v3  }
0xf2: {  	v3 =	vor.u32 v3, v4  }
0xf3: {  	v4 =	vperm.xlane v3, v0;
	_ =	sdelay $0x1  }
0xf4: {  	v4 =	vadd.s32 v1, v4;
	_ =	sdelay $0x2  }
0xf5: {  	s10 =	simm.s32 $0x0  }
0xf6: {  	s18 =	simm.s32 $0xFE80;
	s26 =	simm.s32 $0x11E80;
	s16 =	simm.s32 $0xF680;
	v3 =	vperm.xlane v3, v2  }
0xf7: {  	[tilespmem:s16], [sflag:$0x3] =	stream.indirect_vreg.gather [hbm4b:s2+s4], $0x80, v4, vm0, $0xb8;
	[tilespmem:$0x12680] =	vst v63  }
0xf8: {  	s24 =	simm.s32 $0x10E80;
	s14 =	simm.s32 $0x8E80;
	s15 =	simm.s32 $0xEE80;
	v3 =	vadd.s32 v1, v3  }
0xf9: {  	[tilespmem:s18], [sflag:$0x3] =	stream.indirect_vreg.gather [hbm4b:s7+s4], $0x80, v4, vm0, $0xb8;
	[tilespmem:$0x12680] =	vst v63  }
0xfa: {  	s25 =	simm.s32 $0x11680;
	s28 =	simm.s32 $0x8680;
	s19 =	simm.s32 $0x10680  }
0xfb: {  	[tilespmem:s19], [sflag:$0x3] =	stream.indirect_vreg.gather [hbm4b:s8+s4], $0x80, v4, vm0, $0xb8;
	[tilespmem:$0x12680] =	vst v63  }
0xfc: {  	s29 =	simm.s32 $0x9E80;
	s5 =	simm.s32 $0xCE80;
	s6 =	simm.s32 $0xE680  }
0xfd: {  	[tilespmem:s24], [sflag:$0x3] =	stream.indirect_vreg.gather [hbm4b:s2+s4], $0x80, v3, vm0, $0xb8;
	[tilespmem:$0x12680] =	vst v63  }
0xfe: {  	s30 =	simm.s32 $0xAE80;
	s31 =	simm.s32 $0xB680;
	s16 =	simm.s32 $0xA680  }
0xff: {  	[tilespmem:s25], [sflag:$0x3] =	stream.indirect_vreg.gather [hbm4b:s7+s4], $0x80, v3, vm0, $0xb8;
	[tilespmem:$0x12680] =	vst v63  }
0x100: {  	s18 =	simm.s32 $0xDE80;
	s24 =	simm.s32 $0xF0;
	s25 =	rddreg [dreg:$0xe]  }
0x101: {  	[tilespmem:s26], [sflag:$0x3] =	stream.indirect_vreg.gather [hbm4b:s8+s4], $0x80, v3, vm0, $0xb8;
	[tilespmem:$0x12680] =	vst v63  }
.LBB2_2:
0x102: {  	_ =	swait.ge [sflag:s17], $0x6000  }
0x103: {  	s11 =	rddreg [dreg:$0x4]  }
0x104: {  	s26 =	sadd.s32 s10, s11  }
0x105: {  	s11 =	sadd.s32 $0x2, s26  }
0x106: {  	s12 =	sshrl.u32 s11, $0x5  }
0x107: {  	s11 =	sand.u32 $0x1F, s11;
	s12 =	smul.u32 $0xC0000, s12  }
0x108: {  	s11 =	smul.u32 $0x6000, s11;
	_ =	sdelay $0x1  }
0x109: {  	s11 =	sadd.s32 s11, s12  }
0x10a: {  	s11 =	sadd.s32 $0xC0000, s11  }
0x10b: {  	s1 =	simm.s32 $0x680;
	[sflag:s17] =	ssyncset.done $0x0;
	s11 =	sshrl.u32 s11, $0x3  }
0x10c: {  	[sflag:s17] =	ssyncadd.s32 $0xFFFFA000;
	s13 =	sadd.s32 $0x3, s26;
	s11 =	sadd.s32 s3, s11  }
0x10d: {  	[hbm4b:s11+s4] =	stream.linear.scatter [tilespmem:s1], [sflag:$0x4], $0x6000, $0x38;
	[tilespmem:$0x12680] =	vst v63  }
0x10e: {  	s19 =	sshrl.u32 s13, $0x5;
	s11 =	sadd.s32 $0xC, s25  }
0x10f: {  	s12 =	smul.u32 $0xC0000, s19;
	s13 =	sand.u32 $0x7C, s11  }
0x110: {  	s19 =	sadd.s32 $0x10, s25;
	s13 =	smul.u32 $0x1800, s13  }
0x111: {  	s0 =	sadd.s32 $0x4, s26;
	s25 =	sand.u32 $0x7C, s19;
	_ =	swait.ge [sflag:s20], $0x6000  }
0x112: {  	s25 =	smul.u32 $0x1800, s25;
	s12 =	sadd.s32 s13, s12;
	s13 =	sshrl.u32 s0, $0x5  }
0x113: {  	[sflag:s20] =	ssyncset.done $0x0;
	s12 =	sshrl.u32 s12, $0x3;
	s13 =	smul.u32 $0xC0000, s13  }
0x114: {  	[sflag:s20] =	ssyncadd.s32 $0xFFFFA000;
	s12 =	sadd.s32 s3, s12  }
0x115: {  	s0 =	simm.s32 $0x6680;
	s12 =	sadd.s32 $0x18000, s12;
	s25 =	sadd.s32 s25, s13  }
0x116: {  	[hbm4b:s12+s4] =	stream.linear.scatter [tilespmem:s0], [sflag:$0x5], $0x6000, $0x38;
	[tilespmem:$0x12680] =	vst v63  }
0x117: {  	s12 =	sshrl.u32 s25, $0x3;
	_ =	swait.ge [sflag:s21], $0x6000  }
0x118: {  	s12 =	sadd.s32 s3, s12;
	[sflag:s21] =	ssyncset.done $0x0  }
0x119: {  	s25 =	simm.s32 $0xC680;
	s12 =	sadd.s32 $0x18000, s12;
	[sflag:s21] =	ssyncadd.s32 $0xFFFFA000  }
0x11a: {  	[hbm4b:s12+s4] =	stream.linear.scatter [tilespmem:s25], [sflag:$0x6], $0x6000, $0x38;
	[tilespmem:$0x12680] =	vst v63  }
0x11b: {  	_ =	swait.ge [sflag:s22], $0x6000  }
0x11c: {  	[sflag:s22] =	ssyncset.done $0x0  }
0x11d: {  	[sflag:s22] =	ssyncadd.s32 $0xFFFFA000  }
0x11e: {  	v3 =	vld [tilespmem:s24+$0xFFFFFFB0];
	_ =	sdelay $0x4  }
0x11f: {  	v4 =	vshrl.u32 v3, $0x3  }
0x120: {  	v4 =	vmul.u32 $0x30, v4  }
0x121: {  	v3 =	vand.u32 $0x7, v3  }
0x122: {  	v3 =	vor.u32 v3, v4  }
0x123: {  	v4 =	vperm.xlane v3, v0;
	_ =	sdelay $0x1  }
0x124: {  	v4 =	vadd.s32 v1, v4;
	_ =	sdelay $0x3  }
0x125: {  	v3 =	vperm.xlane v3, v2  }
0x126: {  	[tilespmem:s1], [sflag:$0x1] =	stream.indirect_vreg.gather [hbm4b:s2+s4], $0x80, v4, vm0, $0xb8;
	[tilespmem:$0x12680] =	vst v63  }
0x127: {  	v3 =	vadd.s32 v1, v3;
	s1 =	simm.s32 $0xE80  }
0x128: {  	[tilespmem:s1], [sflag:$0x1] =	stream.indirect_vreg.gather [hbm4b:s7+s4], $0x80, v4, vm0, $0xb8;
	[tilespmem:$0x12680] =	vst v63  }
0x129: {  	s1 =	simm.s32 $0x1680  }
0x12a: {  	[tilespmem:s1], [sflag:$0x1] =	stream.indirect_vreg.gather [hbm4b:s8+s4], $0x80, v4, vm0, $0xb8;
	[tilespmem:$0x12680] =	vst v63  }
0x12b: {  	s1 =	simm.s32 $0x1E80  }
0x12c: {  	[tilespmem:s1], [sflag:$0x1] =	stream.indirect_vreg.gather [hbm4b:s2+s4], $0x80, v3, vm0, $0xb8;
	[tilespmem:$0x12680] =	vst v63  }
0x12d: {  	s1 =	simm.s32 $0x2680  }
0x12e: {  	[tilespmem:s1], [sflag:$0x1] =	stream.indirect_vreg.gather [hbm4b:s7+s4], $0x80, v3, vm0, $0xb8;
	[tilespmem:$0x12680] =	vst v63  }
0x12f: {  	s1 =	simm.s32 $0x2E80  }
0x130: {  	[tilespmem:s1], [sflag:$0x1] =	stream.indirect_vreg.gather [hbm4b:s8+s4], $0x80, v3, vm0, $0xb8;
	[tilespmem:$0x12680] =	vst v63  }
0x131: {  	v3 =	vld [tilespmem:s24+$0xFFFFFFC0];
	_ =	sdelay $0x4  }
0x132: {  	v59 =	vshrl.u32 v3, $0x3  }
0x133: {  	v4 =	vmul.u32 $0x30, v59  }
0x134: {  	v3 =	vand.u32 $0x7, v3  }
0x135: {  	v3 =	vor.u32 v3, v4  }
0x136: {  	v4 =	vperm.xlane v3, v0;
	_ =	sdelay $0x1  }
0x137: {  	v4 =	vadd.s32 v1, v4;
	_ =	sdelay $0x3  }
0x138: {  	s1 =	simm.s32 $0x3680;
	v3 =	vperm.xlane v3, v2  }
0x139: {  	[tilespmem:s1], [sflag:$0x1] =	stream.indirect_vreg.gather [hbm4b:s2+s4], $0x80, v4, vm0, $0xb8;
	[tilespmem:$0x12680] =	vst v63  }
0x13a: {  	v3 =	vadd.s32 v1, v3;
	s1 =	simm.s32 $0x3E80  }
0x13b: {  	[tilespmem:s1], [sflag:$0x1] =	stream.indirect_vreg.gather [hbm4b:s7+s4], $0x80, v4, vm0, $0xb8;
	[tilespmem:$0x12680] =	vst v63  }
0x13c: {  	s1 =	simm.s32 $0x4680  }
0x13d: {  	[tilespmem:s1], [sflag:$0x1] =	stream.indirect_vreg.gather [hbm4b:s8+s4], $0x80, v4, vm0, $0xb8;
	[tilespmem:$0x12680] =	vst v63  }
0x13e: {  	s1 =	simm.s32 $0x4E80  }
0x13f: {  	[tilespmem:s1], [sflag:$0x1] =	stream.indirect_vreg.gather [hbm4b:s2+s4], $0x80, v3, vm0, $0xb8;
	[tilespmem:$0x12680] =	vst v63  }
0x140: {  	s1 =	simm.s32 $0x5680  }
0x141: {  	[tilespmem:s1], [sflag:$0x1] =	stream.indirect_vreg.gather [hbm4b:s7+s4], $0x80, v3, vm0, $0xb8;
	[tilespmem:$0x12680] =	vst v63  }
0x142: {  	s1 =	simm.s32 $0x5E80  }
0x143: {  	[tilespmem:s1], [sflag:$0x1] =	stream.indirect_vreg.gather [hbm4b:s8+s4], $0x80, v3, vm0, $0xb8;
	[tilespmem:$0x12680] =	vst v63  }
0x144: {  	_ =	swait.ge [sflag:s23], $0x6000  }
0x145: {  	[sflag:s23] =	ssyncset.done $0x0  }
0x146: {  	[sflag:s23] =	ssyncadd.s32 $0xFFFFA000  }
0x147: {  	v3 =	vld [tilespmem:s24+$0xFFFFFFD0];
	_ =	sdelay $0x4  }
0x148: {  	v60 =	vshrl.u32 v3, $0x3  }
0x149: {  	v4 =	vmul.u32 $0x30, v60  }
0x14a: {  	v3 =	vand.u32 $0x7, v3  }
0x14b: {  	v3 =	vor.u32 v3, v4  }
0x14c: {  	v4 =	vperm.xlane v3, v0;
	_ =	sdelay $0x1  }
0x14d: {  	v4 =	vadd.s32 v1, v4;
	_ =	sdelay $0x3  }
0x14e: {  	v3 =	vperm.xlane v3, v2  }
0x14f: {  	[tilespmem:s0], [sflag:$0x2] =	stream.indirect_vreg.gather [hbm4b:s2+s4], $0x80, v4, vm0, $0xb8;
	[tilespmem:$0x12680] =	vst v63  }
0x150: {  	s12 =	simm.s32 $0x6E80;
	v3 =	vadd.s32 v1, v3  }
0x151: {  	[tilespmem:s12], [sflag:$0x2] =	stream.indirect_vreg.gather [hbm4b:s7+s4], $0x80, v4, vm0, $0xb8;
	[tilespmem:$0x12680] =	vst v63  }
0x152: {  	s13 =	simm.s32 $0x7680  }
0x153: {  	[tilespmem:s13], [sflag:$0x2] =	stream.indirect_vreg.gather [hbm4b:s8+s4], $0x80, v4, vm0, $0xb8;
	[tilespmem:$0x12680] =	vst v63  }
0x154: {  	s26 =	simm.s32 $0x7E80  }
0x155: {  	[tilespmem:s26], [sflag:$0x2] =	stream.indirect_vreg.gather [hbm4b:s2+s4], $0x80, v3, vm0, $0xb8;
	[tilespmem:$0x12680] =	vst v63  }
0x156: {  	_ = 	snop  }
0x157: {  	[tilespmem:s28], [sflag:$0x2] =	stream.indirect_vreg.gather [hbm4b:s7+s4], $0x80, v3, vm0, $0xb8;
	[tilespmem:$0x12680] =	vst v63  }
0x158: {  	_ = 	snop  }
0x159: {  	[tilespmem:s14], [sflag:$0x2] =	stream.indirect_vreg.gather [hbm4b:s8+s4], $0x80, v3, vm0, $0xb8;
	[tilespmem:$0x12680] =	vst v63  }
0x15a: {  	v3 =	vld [tilespmem:s24+$0xFFFFFFE0];
	_ =	sdelay $0x4  }
0x15b: {  	v61 =	vshrl.u32 v3, $0x3  }
0x15c: {  	v4 =	vmul.u32 $0x30, v61  }
0x15d: {  	v3 =	vand.u32 $0x7, v3  }
0x15e: {  	v3 =	vor.u32 v3, v4  }
0x15f: {  	v4 =	vperm.xlane v3, v0;
	_ =	sdelay $0x1  }
0x160: {  	v4 =	vadd.s32 v1, v4;
	_ =	sdelay $0x3  }
0x161: {  	s0 =	simm.s32 $0x9680;
	v3 =	vperm.xlane v3, v2  }
0x162: {  	[tilespmem:s0], [sflag:$0x2] =	stream.indirect_vreg.gather [hbm4b:s2+s4], $0x80, v4, vm0, $0xb8;
	[tilespmem:$0x12680] =	vst v63  }
0x163: {  	v3 =	vadd.s32 v1, v3  }
0x164: {  	[tilespmem:s29], [sflag:$0x2] =	stream.indirect_vreg.gather [hbm4b:s7+s4], $0x80, v4, vm0, $0xb8;
	[tilespmem:$0x12680] =	vst v63  }
0x165: {  	_ = 	snop  }
0x166: {  	[tilespmem:s16], [sflag:$0x2] =	stream.indirect_vreg.gather [hbm4b:s8+s4], $0x80, v4, vm0, $0xb8;
	[tilespmem:$0x12680] =	vst v63  }
0x167: {  	_ = 	snop  }
0x168: {  	[tilespmem:s30], [sflag:$0x2] =	stream.indirect_vreg.gather [hbm4b:s2+s4], $0x80, v3, vm0, $0xb8;
	[tilespmem:$0x12680] =	vst v63  }
0x169: {  	_ = 	snop  }
0x16a: {  	[tilespmem:s31], [sflag:$0x2] =	stream.indirect_vreg.gather [hbm4b:s7+s4], $0x80, v3, vm0, $0xb8;
	[tilespmem:$0x12680] =	vst v63  }
0x16b: {  	s0 =	simm.s32 $0xBE80  }
0x16c: {  	[tilespmem:s0], [sflag:$0x2] =	stream.indirect_vreg.gather [hbm4b:s8+s4], $0x80, v3, vm0, $0xb8;
	[tilespmem:$0x12680] =	vst v63  }
0x16d: {  	_ =	swait.ge [sflag:s9], $0x6000  }
0x16e: {  	[sflag:s9] =	ssyncset.done $0x0  }
0x16f: {  	[sflag:s9] =	ssyncadd.s32 $0xFFFFA000  }
0x170: {  	v3 =	vld [tilespmem:s24+$0xFFFFFFF0];
	_ =	sdelay $0x4  }
0x171: {  	v62 =	vshrl.u32 v3, $0x3  }
0x172: {  	v4 =	vmul.u32 $0x30, v62  }
0x173: {  	v3 =	vand.u32 $0x7, v3  }
0x174: {  	v3 =	vor.u32 v3, v4  }
0x175: {  	v4 =	vperm.xlane v3, v0;
	_ =	sdelay $0x1  }
0x176: {  	v4 =	vadd.s32 v1, v4;
	_ =	sdelay $0x3  }
0x177: {  	v3 =	vperm.xlane v3, v2  }
0x178: {  	[tilespmem:s25], [sflag:$0x3] =	stream.indirect_vreg.gather [hbm4b:s2+s4], $0x80, v4, vm0, $0xb8;
	[tilespmem:$0x12680] =	vst v63  }
0x179: {  	v3 =	vadd.s32 v1, v3  }
0x17a: {  	[tilespmem:s5], [sflag:$0x3] =	stream.indirect_vreg.gather [hbm4b:s7+s4], $0x80, v4, vm0, $0xb8;
	[tilespmem:$0x12680] =	vst v63  }
0x17b: {  	s25 =	simm.s32 $0xD680  }
0x17c: {  	[tilespmem:s25], [sflag:$0x3] =	stream.indirect_vreg.gather [hbm4b:s8+s4], $0x80, v4, vm0, $0xb8;
	[tilespmem:$0x12680] =	vst v63  }
0x17d: {  	_ = 	snop  }
0x17e: {  	[tilespmem:s18], [sflag:$0x3] =	stream.indirect_vreg.gather [hbm4b:s2+s4], $0x80, v3, vm0, $0xb8;
	[tilespmem:$0x12680] =	vst v63  }
0x17f: {  	_ = 	snop  }
0x180: {  	[tilespmem:s6], [sflag:$0x3] =	stream.indirect_vreg.gather [hbm4b:s7+s4], $0x80, v3, vm0, $0xb8;
	[tilespmem:$0x12680] =	vst v63  }
0x181: {  	_ = 	snop  }
0x182: {  	[tilespmem:s15], [sflag:$0x3] =	stream.indirect_vreg.gather [hbm4b:s8+s4], $0x80, v3, vm0, $0xb8;
	[tilespmem:$0x12680] =	vst v63  }
0x183: {  	v3 =	vld [tilespmem:s24+$0x0];
	_ =	sdelay $0x4  }
0x184: {  	v63 =	vshrl.u32 v3, $0x3  }
0x185: {  	v4 =	vmul.u32 $0x30, v63  }
0x186: {  	v3 =	vand.u32 $0x7, v3  }
0x187: {  	v3 =	vor.u32 v3, v4  }
0x188: {  	v4 =	vperm.xlane v3, v0;
	_ =	sdelay $0x1  }
0x189: {  	v4 =	vadd.s32 v1, v4;
	_ =	sdelay $0x3  }
0x18a: {  	s25 =	simm.s32 $0xF680;
	v3 =	vperm.xlane v3, v2  }
0x18b: {  	[tilespmem:s25], [sflag:$0x3] =	stream.indirect_vreg.gather [hbm4b:s2+s4], $0x80, v4, vm0, $0xb8;
	[tilespmem:$0x12680] =	vst v63  }
0x18c: {  	v3 =	vadd.s32 v1, v3;
	s25 =	simm.s32 $0xFE80  }
0x18d: {  	[tilespmem:s25], [sflag:$0x3] =	stream.indirect_vreg.gather [hbm4b:s7+s4], $0x80, v4, vm0, $0xb8;
	[tilespmem:$0x12680] =	vst v63  }
0x18e: {  	s25 =	simm.s32 $0x10680  }
0x18f: {  	[tilespmem:s25], [sflag:$0x3] =	stream.indirect_vreg.gather [hbm4b:s8+s4], $0x80, v4, vm0, $0xb8;
	[tilespmem:$0x12680] =	vst v63  }
0x190: {  	p0 =	sne.s32 s10, $0x2A;
	s25 =	simm.s32 $0x10E80  }
0x191: {  	[tilespmem:s25], [sflag:$0x3] =	stream.indirect_vreg.gather [hbm4b:s2+s4], $0x80, v3, vm0, $0xb8;
	[tilespmem:$0x12680] =	vst v63  }
.Ltmp0:
0x192: {  	s10 =	sadd.s32 $0x3, s10;
	s25 =	simm.s32 $0x11680;
	(pc) =	sbr.rel @p0 .LBB2_2-.Ltmp0, $4  }
0x193: {  	[tilespmem:s25], [sflag:$0x3] =	stream.indirect_vreg.gather [hbm4b:s7+s4], $0x80, v3, vm0, $0xb8;
	[tilespmem:$0x12680] =	vst v63  }
0x194: {  	s19 =	simm.s32 $0x680;
	s1 =	simm.s32 $0x6680;
	s25 =	simm.s32 $0x11E80  }
0x195: {  	[tilespmem:s25], [sflag:$0x3] =	stream.indirect_vreg.gather [hbm4b:s8+s4], $0x80, v3, vm0, $0xb8;
	[tilespmem:$0x12680] =	vst v63  }
0x196: {  	s0 =	simm.s32 $0xC680;
	s24 =	sadd.s32 $0x60, s24;
	s25 =	smov.u32 s11  }
0x197: {  	_ =	swait.ge [sflag:s17], $0x6000  }
0x198: {  	[sflag:s17] =	ssyncset.done $0x0  }
0x199: {  	s10 =	rddreg [dreg:$0x7];
	[sflag:s17] =	ssyncadd.s32 $0xFFFFA000  }
0x19a: {  	[hbm4b:s10+s4] =	stream.linear.scatter [tilespmem:s19], [sflag:$0x4], $0x6000, $0x38;
	[tilespmem:$0x12680] =	vst v63  }
0x19b: {  	_ =	swait.ge [sflag:s20], $0x6000  }
0x19c: {  	[sflag:s20] =	ssyncset.done $0x0  }
0x19d: {  	s18 =	rddreg [dreg:$0x8];
	[sflag:s20] =	ssyncadd.s32 $0xFFFFA000  }
0x19e: {  	[hbm4b:s18+s4] =	stream.linear.scatter [tilespmem:s1], [sflag:$0x5], $0x6000, $0x38;
	[tilespmem:$0x12680] =	vst v63  }
0x19f: {  	_ =	swait.ge [sflag:s21], $0x6000  }
0x1a0: {  	[sflag:s21] =	ssyncset.done $0x0  }
0x1a1: {  	s19 =	rddreg [dreg:$0x9];
	[sflag:s21] =	ssyncadd.s32 $0xFFFFA000  }
0x1a2: {  	[hbm4b:s19+s4] =	stream.linear.scatter [tilespmem:s0], [sflag:$0x6], $0x6000, $0x38;
	[tilespmem:$0x12680] =	vst v63  }
0x1a3: {  	_ =	swait.ge [sflag:s22], $0x6000  }
0x1a4: {  	[sflag:s22] =	ssyncset.done $0x0  }
0x1a5: {  	[sflag:s22] =	ssyncadd.s32 $0xFFFFA000  }
0x1a6: {  	_ =	swait.ge [sflag:s23], $0x6000  }
0x1a7: {  	[sflag:s23] =	ssyncset.done $0x0  }
0x1a8: {  	[sflag:s23] =	ssyncadd.s32 $0xFFFFA000  }
0x1a9: {  	_ =	swait.ge [sflag:s9], $0x6000  }
0x1aa: {  	s24 =	rddreg [dreg:$0xf]  }
0x1ab: {  	s25 =	rddreg [dreg:$0xa];
	s1 =	sadd.s32 $0x1, s24  }
0x1ac: {  	s11 =	simm.s32 $0x8680;
	p0 =	sne.s32 s1, s25  }
.Ltmp1:
0x1ad: {  	s14 =	simm.s32 $0x9680;
	s15 =	simm.s32 $0x9E80;
	(pc) =	sbr.rel @p0 .LBB2_1-.Ltmp1, $4  }
0x1ae: {  	s16 =	simm.s32 $0xAE80;
	s28 =	simm.s32 $0xB680;
	s29 =	simm.s32 $0xBE80  }
0x1af: {  	s5 =	simm.s32 $0xD680;
	s6 =	simm.s32 $0xDE80;
	s30 =	simm.s32 $0xE680  }
0x1b0: {  	s31 =	simm.s32 $0xEE80;
	s0 =	simm.s32 $0xCE80;
	[sflag:s9] =	ssyncset.done $0x0  }
0x1b1: {  	[sflag:s9] =	ssyncadd.s32 $0xFFFFA000;
	s24 =	simm.s32 $0x8E80;
	s25 =	simm.s32 $0xA680  }
0x1b2: {  	_ =	sfence.sel $0x180000  }
0x1b3: {  	[bflag:$0x0] =	sbarrier.arrive $0xFFFF  }
0x1b4: {  	_ =	strace $0x90000047  }
0x1b5: {  	s0 =	stileid.u32;
	[bflag:$0x2] =	sbarrier.arrive $0xFFFF  }
0x1b6: {  	p0 =	sne.s32 s0, $0x0;
	s0 =	rddreg [dreg:$0x3]  }
0x1b7: {  	s0 =	sadd.s32 @!p0 $0x100000, s0  }
0x1b8: {  	[sflag:s0] =	ssyncadd.tile.s32 @!p0 $0x1;
	_ =	shalt  }
.Lfunc_end2:
_tile_overlayer_lowered:
.L_overlay_start_2:
0x1b9: {  	(tag) =	ssettag $0x2  }
0x1ba: {  	s0 =	rddreg [dreg:$0x0];
	s2 =	stileid.u32  }
0x1bb: {  	s1 =	rddreg [dreg:$0x1];
	p0 =	sne.s32 s2, $0x0  }
0x1bc: {  	s3 =	rddreg [dreg:$0x2];
	[bflag:$0x3] =	sbarrier.arrive $0xFFFF;
	s2 =	simm.s32 @!p0 $0x1C07  }
0x1bd: {  	[timem:s3], [sflag:s2] =	dma.local @!p0 [hbm:s0], s1  }
0x1be: {  	s0 =	simm.s32 @!p0 $0x7  }
0x1bf: {  	_ =	swait.ge @!p0 [sflag:s0], s1  }
0x1c0: {  	s1 =	ssub.s32 @!p0 $0x0, s1;
	[sflag:s0] =	ssyncset.done @!p0 $0x0  }
0x1c1: {  	[sflag:s0] =	ssyncadd.s32 @!p0 s1  }
0x1c2: {  	[bflag:$0x3] =	sbarrier.arrive $0xFFFF  }
0x1c3: {  	_ =	shalt  }

</sc_bundles>
